<compile_context>
chip_gen: v7x
topology: tpu7x:2x2x1
jax: 0.10.2.dev20260603
libtpu: 0.0.44.dev20260713+nightly
codegen_flags: <defaults>
</compile_context>

<pallas_src>
import functools

import jax
import jax.numpy as jnp
from jax import lax
from jax.experimental import pallas as pl
from jax.experimental.pallas import tpu as pltpu
from jax.experimental.pallas import tpu_sc as plsc

NC = 2
NS = 16
NW = NC * NS
CH = 80
NPAD = 10240


def _sc_mesh():
    return plsc.VectorSubcoreMesh(core_axis_name="c", subcore_axis_name="s")


def _deg_partials(dst, np_pad):
    e = dst.shape[0]
    epw = e // NW
    nchunks = epw // CH
    per_tile = np_pad // NS

    @functools.partial(
        pl.kernel,
        out_type=jax.ShapeDtypeStruct((NC, np_pad), jnp.float32),
        mesh=_sc_mesh(),
        scratch_types=[
            pltpu.VMEM((CH,), jnp.int32),
            pltpu.VMEM((CH,), jnp.float32),
            pltpu.VMEM((per_tile,), jnp.float32),
            pltpu.VMEM_SHARED((np_pad,), jnp.float32),
        ],
    )
    def body(dst_hbm, out_hbm, idx_v, ones_v, stage_v, acc_sh):
        c = lax.axis_index("c")
        s = lax.axis_index("s")

        def fill_ones(i, _):
            ones_v[pl.ds(i * 16, 16)] = jnp.full((16,), 1.0, jnp.float32)
            return 0

        lax.fori_loop(0, CH // 16, fill_ones, 0)

        def fill_zero(i, _):
            stage_v[pl.ds(i * 16, 16)] = jnp.zeros((16,), jnp.float32)
            return 0

        lax.fori_loop(0, per_tile // 16, fill_zero, 0)

        r0 = s * per_tile
        pltpu.sync_copy(stage_v, acc_sh.at[pl.ds(r0, per_tile)])
        plsc.subcore_barrier()

        base = (c * NS + s) * epw

        def step(i, _):
            off = pl.multiple_of(base + i * CH, 8)
            pltpu.sync_copy(dst_hbm.at[pl.ds(off, CH)], idx_v)
            pltpu.sync_copy(ones_v, acc_sh.at[idx_v], add=True)
            return 0

        lax.fori_loop(0, nchunks, step, 0)
        plsc.subcore_barrier()
        pltpu.sync_copy(acc_sh.at[pl.ds(r0, per_tile)],
                        out_hbm.at[c, pl.ds(r0, per_tile)])

    return body(dst)


def _message_partials(hp, src, dst, zrows):
    np_pad, d = hp.shape
    e = src.shape[0]
    epw = e // NW
    nchunks = epw // CH
    per_tile = np_pad // NS
    half = (nchunks - 1) // 2

    @functools.partial(
        pl.kernel,
        out_type=(jax.ShapeDtypeStruct((np_pad, d), jnp.float32),
                  jax.ShapeDtypeStruct((np_pad, d), jnp.float32)),
        mesh=_sc_mesh(),
        scratch_types=[
            pltpu.VMEM((CH,), jnp.int32),
            pltpu.VMEM((CH,), jnp.int32),
            pltpu.VMEM((CH,), jnp.int32),
            pltpu.VMEM((CH,), jnp.int32),
            pltpu.VMEM((CH, d), jnp.float32),
            pltpu.VMEM((CH, d), jnp.float32),
            pltpu.VMEM_SHARED((np_pad, d), jnp.float32),
            pltpu.SemaphoreType.DMA,
            pltpu.SemaphoreType.DMA,
        ],
    )
    def body(hp_hbm, src_hbm, dst_hbm, zr_hbm, p0_hbm, p1_hbm,
             src0, src1, dst0, dst1, rows0, rows1, acc_sh, g0, g1):
        srcB = [src0, src1]
        dstB = [dst0, dst1]
        rows = [rows0, rows1]
        gsem = [g0, g1]
        c = lax.axis_index("c")
        s = lax.axis_index("s")
        r0 = s * per_tile
        base = (c * NS + s) * epw

        @pl.when(c == 0)
        def _():
            pltpu.sync_copy(hp_hbm.at[pl.ds(r0, per_tile)],
                            acc_sh.at[pl.ds(r0, per_tile)])

        @pl.when(c != 0)
        def _():
            pltpu.sync_copy(zr_hbm, acc_sh.at[pl.ds(r0, per_tile)])

        plsc.subcore_barrier()

        def load_idx(i, b):
            off = pl.multiple_of(base + i * CH, 8)
            pltpu.sync_copy(src_hbm.at[pl.ds(off, CH)], srcB[b])
            pltpu.sync_copy(dst_hbm.at[pl.ds(off, CH)], dstB[b])

        def issue_gather(b):
            pltpu.async_copy(hp_hbm.at[srcB[b]], rows[b], gsem[b])

        def wait_gather(b):
            pltpu.make_async_copy(hp_hbm.at[srcB[b]], rows[b],
                                  gsem[b]).wait()

        def scatter(b):
            pltpu.sync_copy(rows[b], acc_sh.at[dstB[b]], add=True)

        load_idx(0, 0)
        issue_gather(0)

        def outer(t, _):
            for b in range(2):
                i = 2 * t + b
                load_idx(i + 1, 1 - b)
                issue_gather(1 - b)
                wait_gather(b)
                scatter(b)
            return 0

        lax.fori_loop(0, half, outer, 0)

        for q in range(2 * half, nchunks):
            b = q % 2
            if q + 1 < nchunks:
                load_idx(q + 1, 1 - b)
                issue_gather(1 - b)
            wait_gather(b)
            scatter(b)

        plsc.subcore_barrier()

        @pl.when(c == 0)
        def _():
            pltpu.sync_copy(acc_sh.at[pl.ds(r0, per_tile)],
                            p0_hbm.at[pl.ds(r0, per_tile)])

        @pl.when(c != 0)
        def _():
            pltpu.sync_copy(acc_sh.at[pl.ds(r0, per_tile)],
                            p1_hbm.at[pl.ds(r0, per_tile)])

    return body(hp, src, dst, zrows)


def _tc_first(x, w1, d0, d1, blk):
    np_pad, d = x.shape

    def body(x_ref, w_ref, d0_ref, d1_ref, hp_ref, dinv_ref):
        dinv = lax.rsqrt(d0_ref[...] + d1_ref[...] + 1.0)
        h = jnp.dot(x_ref[...], w_ref[...],
                    preferred_element_type=jnp.float32)
        hp_ref[...] = h * dinv
        dinv_ref[...] = dinv

    return pl.pallas_call(
        body,
        grid=(np_pad // blk,),
        in_specs=[
            pl.BlockSpec((blk, d), lambda i: (i, 0)),
            pl.BlockSpec((d, d), lambda i: (0, 0)),
            pl.BlockSpec((blk, 1), lambda i: (i, 0)),
            pl.BlockSpec((blk, 1), lambda i: (i, 0)),
        ],
        out_specs=[
            pl.BlockSpec((blk, d), lambda i: (i, 0)),
            pl.BlockSpec((blk, 1), lambda i: (i, 0)),
        ],
        out_shape=[
            jax.ShapeDtypeStruct((np_pad, d), jnp.float32),
            jax.ShapeDtypeStruct((np_pad, 1), jnp.float32),
        ],
    )(x, w1, d0, d1)


def _tc_mid(p0, p1, dinv, b, w2, blk):
    np_pad, d = p0.shape

    def body(p0_ref, p1_ref, dinv_ref, b_ref, w_ref, hp_ref):
        h = jnp.maximum((p0_ref[...] + p1_ref[...]) * dinv_ref[...]
                        + b_ref[...], 0.0)
        hp_ref[...] = jnp.dot(h, w_ref[...],
                              preferred_element_type=jnp.float32) * dinv_ref[...]

    return pl.pallas_call(
        body,
        grid=(np_pad // blk,),
        in_specs=[
            pl.BlockSpec((blk, d), lambda i: (i, 0)),
            pl.BlockSpec((blk, d), lambda i: (i, 0)),
            pl.BlockSpec((blk, 1), lambda i: (i, 0)),
            pl.BlockSpec((1, d), lambda i: (0, 0)),
            pl.BlockSpec((d, d), lambda i: (0, 0)),
        ],
        out_specs=pl.BlockSpec((blk, d), lambda i: (i, 0)),
        out_shape=jax.ShapeDtypeStruct((np_pad, d), jnp.float32),
    )(p0, p1, dinv, b, w2)


def _tc_last(q0, q1, dinv, b, wr, br, blk):
    np_pad, d = q0.shape

    def body(q0_ref, q1_ref, dinv_ref, b_ref, w_ref, br_ref, o_ref):
        h = jnp.maximum((q0_ref[...] + q1_ref[...]) * dinv_ref[...]
                        + b_ref[...], 0.0)
        o_ref[...] = jnp.dot(h, w_ref[...],
                             preferred_element_type=jnp.float32) + br_ref[...]

    return pl.pallas_call(
        body,
        grid=(np_pad // blk,),
        in_specs=[
            pl.BlockSpec((blk, d), lambda i: (i, 0)),
            pl.BlockSpec((blk, d), lambda i: (i, 0)),
            pl.BlockSpec((blk, 1), lambda i: (i, 0)),
            pl.BlockSpec((1, d), lambda i: (0, 0)),
            pl.BlockSpec((d, 1), lambda i: (0, 0)),
            pl.BlockSpec((1, 1), lambda i: (0, 0)),
        ],
        out_specs=pl.BlockSpec((blk, 1), lambda i: (i, 0)),
        out_shape=jax.ShapeDtypeStruct((np_pad, 1), jnp.float32),
    )(q0, q1, dinv, b, wr, br)


def kernel(x, edge_index, W1, b1, W2, b2, Wr, br):
    n, d = x.shape
    blk = 1024

    src = edge_index[0]
    dst = edge_index[1]
    x_pad = jnp.pad(x, ((0, NPAD - n), (0, 0)))
    zrows = jnp.zeros((NPAD // NS, d), jnp.float32)

    degs = _deg_partials(dst, NPAD)
    d0 = degs[0].reshape(NPAD, 1)
    d1 = degs[1].reshape(NPAD, 1)

    h1p, dinv = _tc_first(x_pad, W1, d0, d1, blk)
    p0, p1 = _message_partials(h1p, src, dst, zrows)
    h2p = _tc_mid(p0, p1, dinv, b1.reshape(1, d), W2, blk)
    q0, q1 = _message_partials(h2p, src, dst, zrows)
    out = _tc_last(q0, q1, dinv, b2.reshape(1, d), Wr, br.reshape(1, 1), blk)
    return out[:n]

# --- scband reference (transcript-rebuilt; emitter-appended) ---
"""Pipeline reference for scband-gcn-37744172597908 (READ-ONLY COPY).

The authoritative reference and input builder live on the scoring server;
editing this copy changes nothing except your own understanding.
"""

import jax, jax.numpy as jnp
import numpy as np

N = 10000
E = 320000
D = 128
H = 128

def setup_inputs(seed: int = 0) -> dict:
    key = jax.random.key(seed)
    k1, k2, k3, k4, k5, k6, k7, k8 = jax.random.split(key, 8)
    x = jax.random.normal(k1, (N, D), dtype=jnp.float32)
    edge_index = jax.random.randint(k2, (2, E), 0, N, dtype=jnp.int32)
    W1 = jax.random.normal(k3, (D, H), dtype=jnp.float32) * 0.05
    b1 = jax.random.normal(k4, (H,), dtype=jnp.float32) * 0.05
    W2 = jax.random.normal(k5, (H, H), dtype=jnp.float32) * 0.05
    b2 = jax.random.normal(k6, (H,), dtype=jnp.float32) * 0.05
    Wr = jax.random.normal(k7, (H, 1), dtype=jnp.float32) * 0.05
    br = jax.random.normal(k8, (1,), dtype=jnp.float32) * 0.05
    return {"x": x, "edge_index": edge_index, "W1": W1, "b1": b1, "W2": W2, "b2": b2, "Wr": Wr, "br": br}

def _gcn_conv(h, src, dst, W, b, n_nodes):
    # PyG GCNConv: linear transform, then symmetric-normalized propagation
    h = h @ W
    ones = jnp.ones(src.shape[0], dtype=h.dtype)
    deg = jax.ops.segment_sum(ones, dst, num_segments=n_nodes)
    dinv = jnp.where(deg > 0, 1.0 / jnp.sqrt(deg), 0.0)
    norm = dinv[src] * dinv[dst]
    msg = h[src] * norm[:, None]
    out = jax.ops.segment_sum(msg, dst, num_segments=n_nodes)
    return out + b

def reference(x, edge_index, W1, b1, W2, b2, Wr, br):
    n_nodes = x.shape[0]
    # add self-loops (GCNConv default)
    loops = jnp.arange(n_nodes, dtype=edge_index.dtype)
    src = jnp.concatenate([edge_index[0], loops])
    dst = jnp.concatenate([edge_index[1], loops])
    h = _gcn_conv(x, src, dst, W1, b1, n_nodes)
    h = jax.nn.relu(h)
    h = _gcn_conv(h, src, dst, W2, b2, n_nodes)
    h = jax.nn.relu(h)
    out = h @ Wr + br
    return out

if __name__ == "__main__":
    import jax
    _d = setup_inputs()
    print(jax.jit(kernel)(*tuple(_d.values())))

</pallas_src>

<mosaic_0001>
#map = affine_map<(d0, d1) -> (0)>
#map1 = affine_map<(d0, d1) -> (0, 0)>
module attributes {stable_mosaic.version = 14 : i64} {
  func.func @body(%arg0: i32, %arg1: i32, %arg2: memref<320000xi32, #tpu.memory_space<hbm>>, %arg3: memref<2x10240xf32, #tpu.memory_space<hbm>>, %arg4: memref<80xi32, #tpu.memory_space<vmem>>, %arg5: memref<80xf32, #tpu.memory_space<vmem>>, %arg6: memref<640xf32, #tpu.memory_space<vmem>>, %arg7: memref<10240xf32, #tpu.memory_space<vmem_shared>>) attributes {dimension_semantics = [#tpu.dimension_semantics<core_parallel>, #tpu.dimension_semantics<subcore_parallel>], iteration_bounds = array<i64: 2, 16>, scalar_prefetch = 0 : i64, scratch_operands = 4 : i64, tpu.core_type = #tpu.core_type<sc_vector_subcore>, window_params = [{transform_indices = #map}, {transform_indices = #map1}]} {
    %scan3A = arith.constant 0 : i32
    %scan3A_0 = arith.constant 0 : i32
    %scan3A_1 = arith.constant 5 : i32
    %scan3A_2 = arith.addi %scan3A_0, %scan3A_1 : i32
    %scan3A_3 = arith.constant 1 : i32
    %scan3A_4 = scf.for %scan3A_26 = %scan3A_0 to %scan3A_2 step %scan3A_3 iter_args(%scan3A_27 = %scan3A) -> (i32)  : i32 {
      %broadcast_in_dim3A = arith.constant 1.000000e+00 : f32
      %broadcast_in_dim3A_28 = vector.broadcast %broadcast_in_dim3A : f32 to vector<16xf32>
      %mul3A_29 = arith.constant 16 : i32
      %mul3A_30 = arith.muli %scan3A_26, %mul3A_29 : i32
      %swap3A = arith.index_cast %mul3A_30 : i32 to index
      %swap3A_31 = tpu.vector_load %arg5[%swap3A] {strides = array<i32>} : memref<80xf32, #tpu.memory_space<vmem>>, vector<16xf32>,
      %swap3A_32 = vector.shape_cast %swap3A_31 : vector<16xf32> to vector<16xf32>
      %swap3A_33 = vector.shape_cast %broadcast_in_dim3A_28 : vector<16xf32> to vector<16xf32>
      tpu.vector_store %arg5[%swap3A], %swap3A_33 {strides = array<i32>} : memref<80xf32, #tpu.memory_space<vmem>>, vector<16xf32>,
      %scan3A_34 = arith.constant 0 : i32
      scf.yield %scan3A_34 : i32
    }
    %scan3A_5 = arith.constant 5 : i32
    %scan3A_6 = arith.constant 0 : i32
    %scan3A_7 = arith.constant 0 : i32
    %scan3A_8 = arith.constant 40 : i32
    %scan3A_9 = arith.addi %scan3A_7, %scan3A_8 : i32
    %scan3A_10 = arith.constant 1 : i32
    %scan3A_11 = scf.for %scan3A_26 = %scan3A_7 to %scan3A_9 step %scan3A_10 iter_args(%scan3A_27 = %scan3A_6) -> (i32)  : i32 {
      %broadcast_in_dim3A = arith.constant 0.000000e+00 : f32
      %broadcast_in_dim3A_28 = vector.broadcast %broadcast_in_dim3A : f32 to vector<16xf32>
      %mul3A_29 = arith.constant 16 : i32
      %mul3A_30 = arith.muli %scan3A_26, %mul3A_29 : i32
      %swap3A = arith.index_cast %mul3A_30 : i32 to index
      %swap3A_31 = tpu.vector_load %arg6[%swap3A] {strides = array<i32>} : memref<640xf32, #tpu.memory_space<vmem>>, vector<16xf32>,
      %swap3A_32 = vector.shape_cast %swap3A_31 : vector<16xf32> to vector<16xf32>
      %swap3A_33 = vector.shape_cast %broadcast_in_dim3A_28 : vector<16xf32> to vector<16xf32>
      tpu.vector_store %arg6[%swap3A], %swap3A_33 {strides = array<i32>} : memref<640xf32, #tpu.memory_space<vmem>>, vector<16xf32>,
      %scan3A_34 = arith.constant 0 : i32
      scf.yield %scan3A_34 : i32
    }
    %scan3A_12 = arith.constant 40 : i32
    %mul3A = arith.constant 640 : i32
    %mul3A_13 = arith.muli %arg1, %mul3A : i32
    "tpu.region"() ({
      %run_scoped3A = tpu.sem_alloc : memref<!tpu.dma_semaphore, #tpu.memory_space<semaphore_mem>>
      %dma_start3A = tpu.memref_slice %arg7[%mul3A_13] : memref<10240xf32, #tpu.memory_space<vmem_shared>> -> memref<640xf32, #tpu.memory_space<vmem_shared>>
      %dma_start3A_26 = tpu.memref_slice %arg7[%mul3A_13] : memref<10240xf32, #tpu.memory_space<vmem_shared>> -> memref<640xf32, #tpu.memory_space<vmem_shared>>
      tpu.enqueue_dma source(%arg6 : memref<640xf32, #tpu.memory_space<vmem>>) target(%dma_start3A_26 : memref<640xf32, #tpu.memory_space<vmem_shared>>) target_semaphore(%run_scoped3A : memref<!tpu.dma_semaphore, #tpu.memory_space<semaphore_mem>>)
      %dma_wait3A = tpu.memref_slice %arg7[%mul3A_13] : memref<10240xf32, #tpu.memory_space<vmem_shared>> -> memref<640xf32, #tpu.memory_space<vmem_shared>>
      %dma_wait3A_27 = tpu.memref_slice %arg7[%mul3A_13] : memref<10240xf32, #tpu.memory_space<vmem_shared>> -> memref<640xf32, #tpu.memory_space<vmem_shared>>
      tpu.wait_dma2 semaphore(%run_scoped3A : memref<!tpu.dma_semaphore, #tpu.memory_space<semaphore_mem>>) src(%arg6 : memref<640xf32, #tpu.memory_space<vmem>>) dst(%dma_wait3A_27 : memref<640xf32, #tpu.memory_space<vmem_shared>>)
      tpu.yield
    }) : () -> ()
    %barrier3A = arith.constant 0 : index
    tpu.barrier barrier_id(%barrier3A)
    %mul3A_14 = arith.constant 16 : i32
    %mul3A_15 = arith.muli %arg0, %mul3A_14 : i32
    %add3A = arith.addi %mul3A_15, %arg1 : i32
    %mul3A_16 = arith.constant 10000 : i32
    %mul3A_17 = arith.muli %add3A, %mul3A_16 : i32
    %scan3A_18 = arith.constant 0 : i32
    %scan3A_19 = arith.constant 0 : i32
    %scan3A_20 = arith.constant 125 : i32
    %scan3A_21 = arith.addi %scan3A_19, %scan3A_20 : i32
    %scan3A_22 = arith.constant 1 : i32
    %scan3A_23 = scf.for %scan3A_26 = %scan3A_19 to %scan3A_21 step %scan3A_22 iter_args(%scan3A_27 = %scan3A_18) -> (i32)  : i32 {
      %mul3A_28 = arith.constant 80 : i32
      %mul3A_29 = arith.muli %scan3A_26, %mul3A_28 : i32
      %add3A_30 = arith.addi %mul3A_17, %mul3A_29 : i32
      %multiple_of3A = tpu.assume_multiple %add3A_30, 8 : i32
      "tpu.region"() ({
        %run_scoped3A = tpu.sem_alloc : memref<!tpu.dma_semaphore, #tpu.memory_space<semaphore_mem>>
        %dma_start3A = tpu.memref_slice %arg2[%multiple_of3A] : memref<320000xi32, #tpu.memory_space<hbm>> -> memref<80xi32, #tpu.memory_space<hbm>>
        %dma_start3A_32 = tpu.memref_slice %arg2[%multiple_of3A] : memref<320000xi32, #tpu.memory_space<hbm>> -> memref<80xi32, #tpu.memory_space<hbm>>
        tpu.enqueue_dma source(%dma_start3A_32 : memref<80xi32, #tpu.memory_space<hbm>>) target(%arg4 : memref<80xi32, #tpu.memory_space<vmem>>) target_semaphore(%run_scoped3A : memref<!tpu.dma_semaphore, #tpu.memory_space<semaphore_mem>>)
        %dma_wait3A = tpu.memref_slice %arg2[%multiple_of3A] : memref<320000xi32, #tpu.memory_space<hbm>> -> memref<80xi32, #tpu.memory_space<hbm>>
        %dma_wait3A_33 = tpu.memref_slice %arg2[%multiple_of3A] : memref<320000xi32, #tpu.memory_space<hbm>> -> memref<80xi32, #tpu.memory_space<hbm>>
        tpu.wait_dma2 semaphore(%run_scoped3A : memref<!tpu.dma_semaphore, #tpu.memory_space<semaphore_mem>>) src(%dma_wait3A_33 : memref<80xi32, #tpu.memory_space<hbm>>) dst(%arg4 : memref<80xi32, #tpu.memory_space<vmem>>)
        tpu.yield
      }) : () -> ()
      "tpu.region"() ({
        %run_scoped3A = tpu.sem_alloc : memref<!tpu.dma_semaphore, #tpu.memory_space<semaphore_mem>>
        %dma_start3A = arith.constant 0 : i32
        %dma_start3A_32 = tpu.memref_slice %arg7[%dma_start3A] : memref<10240xf32, #tpu.memory_space<vmem_shared>> -> memref<10240xf32, #tpu.memory_space<vmem_shared>>
        tpu.enqueue_indirect_dma source(%arg5 : memref<80xf32, #tpu.memory_space<vmem>>) target(%dma_start3A_32 : memref<10240xf32, #tpu.memory_space<vmem_shared>>) offsets(%arg4 : memref<80xi32, #tpu.memory_space<vmem>>) semaphore(%run_scoped3A : memref<!tpu.dma_semaphore, #tpu.memory_space<semaphore_mem>>) {add = true}
        %dma_wait3A = arith.constant 0 : i32
        %dma_wait3A_33 = tpu.memref_slice %arg7[%dma_wait3A] : memref<10240xf32, #tpu.memory_space<vmem_shared>> -> memref<10240xf32, #tpu.memory_space<vmem_shared>>
        tpu.wait_indirect_dma semaphore(%run_scoped3A : memref<!tpu.dma_semaphore, #tpu.memory_space<semaphore_mem>>) src(%arg5 : memref<80xf32, #tpu.memory_space<vmem>>) dst(%dma_wait3A_33 : memref<10240xf32, #tpu.memory_space<vmem_shared>>)
        tpu.yield
      }) : () -> ()
      %scan3A_31 = arith.constant 0 : i32
      scf.yield %scan3A_31 : i32
    }
    %scan3A_24 = arith.constant 125 : i32
    %barrier3A_25 = arith.constant 0 : index
    tpu.barrier barrier_id(%barrier3A_25)
    "tpu.region"() ({
      %run_scoped3A = tpu.sem_alloc : memref<!tpu.dma_semaphore, #tpu.memory_space<semaphore_mem>>
      %dma_start3A = tpu.memref_slice %arg3[%arg0, %mul3A_13] : memref<2x10240xf32, #tpu.memory_space<hbm>> -> memref<1x640xf32, #tpu.memory_space<hbm>>
      %dma_start3A_26 = tpu.memref_squeeze %dma_start3A : memref<1x640xf32, #tpu.memory_space<hbm>> -> memref<640xf32, #tpu.memory_space<hbm>>
      %dma_start3A_27 = tpu.memref_slice %arg7[%mul3A_13] : memref<10240xf32, #tpu.memory_space<vmem_shared>> -> memref<640xf32, #tpu.memory_space<vmem_shared>>
      tpu.enqueue_dma source(%dma_start3A_27 : memref<640xf32, #tpu.memory_space<vmem_shared>>) target(%dma_start3A_26 : memref<640xf32, #tpu.memory_space<hbm>>) target_semaphore(%run_scoped3A : memref<!tpu.dma_semaphore, #tpu.memory_space<semaphore_mem>>)
      %dma_wait3A = tpu.memref_slice %arg3[%arg0, %mul3A_13] : memref<2x10240xf32, #tpu.memory_space<hbm>> -> memref<1x640xf32, #tpu.memory_space<hbm>>
      %dma_wait3A_28 = tpu.memref_squeeze %dma_wait3A : memref<1x640xf32, #tpu.memory_space<hbm>> -> memref<640xf32, #tpu.memory_space<hbm>>
      %dma_wait3A_29 = tpu.memref_slice %arg7[%mul3A_13] : memref<10240xf32, #tpu.memory_space<vmem_shared>> -> memref<640xf32, #tpu.memory_space<vmem_shared>>
      tpu.wait_dma2 semaphore(%run_scoped3A : memref<!tpu.dma_semaphore, #tpu.memory_space<semaphore_mem>>) src(%dma_wait3A_29 : memref<640xf32, #tpu.memory_space<vmem_shared>>) dst(%dma_wait3A_28 : memref<640xf32, #tpu.memory_space<hbm>>)
      tpu.yield
    }) : () -> ()
    return
  }
}

#map = affine_map<(d0, d1) -> (0, 0)>
#map1 = affine_map<(d0, d1) -> (0)>
module attributes {stable_mosaic.version = 14 : i64} {
  func.func @body(%arg0: i32, %arg1: i32, %arg2: memref<10240x128xf32, #tpu.memory_space<hbm>>, %arg3: memref<320000xi32, #tpu.memory_space<hbm>>, %arg4: memref<320000xi32, #tpu.memory_space<hbm>>, %arg5: memref<640x128xf32, #tpu.memory_space<hbm>>, %arg6: memref<10240x128xf32, #tpu.memory_space<hbm>>, %arg7: memref<10240x128xf32, #tpu.memory_space<hbm>>, %arg8: memref<80xi32, #tpu.memory_space<vmem>>, %arg9: memref<80xi32, #tpu.memory_space<vmem>>, %arg10: memref<80xi32, #tpu.memory_space<vmem>>, %arg11: memref<80xi32, #tpu.memory_space<vmem>>, %arg12: memref<80x128xf32, #tpu.memory_space<vmem>>, %arg13: memref<80x128xf32, #tpu.memory_space<vmem>>, %arg14: memref<10240x128xf32, #tpu.memory_space<vmem_shared>>, %arg15: memref<!tpu.dma_semaphore, #tpu.memory_space<semaphore_mem>>, %arg16: memref<!tpu.dma_semaphore, #tpu.memory_space<semaphore_mem>>) attributes {dimension_semantics = [#tpu.dimension_semantics<core_parallel>, #tpu.dimension_semantics<subcore_parallel>], iteration_bounds = array<i64: 2, 16>, scalar_prefetch = 0 : i64, scratch_operands = 9 : i64, tpu.core_type = #tpu.core_type<sc_vector_subcore>, window_params = [{transform_indices = #map}, {transform_indices = #map1}, {transform_indices = #map1}, {transform_indices = #map}, {transform_indices = #map}, {transform_indices = #map}]} {
    %mul3A = arith.constant 640 : i32
    %mul3A_0 = arith.muli %arg1, %mul3A : i32
    %mul3A_1 = arith.constant 16 : i32
    %mul3A_2 = arith.muli %arg0, %mul3A_1 : i32
    %add3A = arith.addi %mul3A_2, %arg1 : i32
    %mul3A_3 = arith.constant 10000 : i32
    %mul3A_4 = arith.muli %add3A, %mul3A_3 : i32
    %eq3A = arith.constant 0 : i32
    %eq3A_5 = arith.cmpi eq, %arg0, %eq3A : i32
    %convert_element_type3A = arith.extui %eq3A_5 : i1 to i32
    %cond3A = arith.constant 0 : i32
    %cond3A_6 = arith.cmpi ne, %convert_element_type3A, %cond3A : i32
    scf.if %cond3A_6 {
      "tpu.region"() ({
        %run_scoped3A = tpu.sem_alloc : memref<!tpu.dma_semaphore, #tpu.memory_space<semaphore_mem>>
        %dma_start3A_34 = arith.constant 0 : i32
        %dma_start3A_35 = tpu.memref_slice %arg14[%mul3A_0, %dma_start3A_34] : memref<10240x128xf32, #tpu.memory_space<vmem_shared>> -> memref<640x128xf32, #tpu.memory_space<vmem_shared>>
        %dma_start3A_36 = arith.constant 0 : i32
        %dma_start3A_37 = tpu.memref_slice %arg2[%mul3A_0, %dma_start3A_36] : memref<10240x128xf32, #tpu.memory_space<hbm>> -> memref<640x128xf32, #tpu.memory_space<hbm>>
        tpu.enqueue_dma source(%dma_start3A_37 : memref<640x128xf32, #tpu.memory_space<hbm>>) target(%dma_start3A_35 : memref<640x128xf32, #tpu.memory_space<vmem_shared>>) target_semaphore(%run_scoped3A : memref<!tpu.dma_semaphore, #tpu.memory_space<semaphore_mem>>)
        %dma_wait3A_38 = arith.constant 0 : i32
        %dma_wait3A_39 = tpu.memref_slice %arg14[%mul3A_0, %dma_wait3A_38] : memref<10240x128xf32, #tpu.memory_space<vmem_shared>> -> memref<640x128xf32, #tpu.memory_space<vmem_shared>>
        %dma_wait3A_40 = arith.constant 0 : i32
        %dma_wait3A_41 = tpu.memref_slice %arg2[%mul3A_0, %dma_wait3A_40] : memref<10240x128xf32, #tpu.memory_space<hbm>> -> memref<640x128xf32, #tpu.memory_space<hbm>>
        tpu.wait_dma2 semaphore(%run_scoped3A : memref<!tpu.dma_semaphore, #tpu.memory_space<semaphore_mem>>) src(%dma_wait3A_41 : memref<640x128xf32, #tpu.memory_space<hbm>>) dst(%dma_wait3A_39 : memref<640x128xf32, #tpu.memory_space<vmem_shared>>)
        tpu.yield
      }) : () -> ()
    } else {
    }
    %ne3A = arith.constant 0 : i32
    %ne3A_7 = arith.cmpi ne, %arg0, %ne3A : i32
    %convert_element_type3A_8 = arith.extui %ne3A_7 : i1 to i32
    %cond3A_9 = arith.constant 0 : i32
    %cond3A_10 = arith.cmpi ne, %convert_element_type3A_8, %cond3A_9 : i32
    scf.if %cond3A_10 {
      "tpu.region"() ({
        %run_scoped3A = tpu.sem_alloc : memref<!tpu.dma_semaphore, #tpu.memory_space<semaphore_mem>>
        %dma_start3A_34 = arith.constant 0 : i32
        %dma_start3A_35 = tpu.memref_slice %arg14[%mul3A_0, %dma_start3A_34] : memref<10240x128xf32, #tpu.memory_space<vmem_shared>> -> memref<640x128xf32, #tpu.memory_space<vmem_shared>>
        tpu.enqueue_dma source(%arg5 : memref<640x128xf32, #tpu.memory_space<hbm>>) target(%dma_start3A_35 : memref<640x128xf32, #tpu.memory_space<vmem_shared>>) target_semaphore(%run_scoped3A : memref<!tpu.dma_semaphore, #tpu.memory_space<semaphore_mem>>)
        %dma_wait3A_36 = arith.constant 0 : i32
        %dma_wait3A_37 = tpu.memref_slice %arg14[%mul3A_0, %dma_wait3A_36] : memref<10240x128xf32, #tpu.memory_space<vmem_shared>> -> memref<640x128xf32, #tpu.memory_space<vmem_shared>>
        tpu.wait_dma2 semaphore(%run_scoped3A : memref<!tpu.dma_semaphore, #tpu.memory_space<semaphore_mem>>) src(%arg5 : memref<640x128xf32, #tpu.memory_space<hbm>>) dst(%dma_wait3A_37 : memref<640x128xf32, #tpu.memory_space<vmem_shared>>)
        tpu.yield
      }) : () -> ()
    } else {
    }
    %barrier3A = arith.constant 0 : index
    tpu.barrier barrier_id(%barrier3A)
    %add3A_11 = arith.constant 0 : i32
    %add3A_12 = arith.addi %mul3A_4, %add3A_11 : i32
    %multiple_of3A = tpu.assume_multiple %add3A_12, 8 : i32
    "tpu.region"() ({
      %run_scoped3A = tpu.sem_alloc : memref<!tpu.dma_semaphore, #tpu.memory_space<semaphore_mem>>
      %dma_start3A_34 = tpu.memref_slice %arg3[%multiple_of3A] : memref<320000xi32, #tpu.memory_space<hbm>> -> memref<80xi32, #tpu.memory_space<hbm>>
      %dma_start3A_35 = tpu.memref_slice %arg3[%multiple_of3A] : memref<320000xi32, #tpu.memory_space<hbm>> -> memref<80xi32, #tpu.memory_space<hbm>>
      tpu.enqueue_dma source(%dma_start3A_35 : memref<80xi32, #tpu.memory_space<hbm>>) target(%arg8 : memref<80xi32, #tpu.memory_space<vmem>>) target_semaphore(%run_scoped3A : memref<!tpu.dma_semaphore, #tpu.memory_space<semaphore_mem>>)
      %dma_wait3A_36 = tpu.memref_slice %arg3[%multiple_of3A] : memref<320000xi32, #tpu.memory_space<hbm>> -> memref<80xi32, #tpu.memory_space<hbm>>
      %dma_wait3A_37 = tpu.memref_slice %arg3[%multiple_of3A] : memref<320000xi32, #tpu.memory_space<hbm>> -> memref<80xi32, #tpu.memory_space<hbm>>
      tpu.wait_dma2 semaphore(%run_scoped3A : memref<!tpu.dma_semaphore, #tpu.memory_space<semaphore_mem>>) src(%dma_wait3A_37 : memref<80xi32, #tpu.memory_space<hbm>>) dst(%arg8 : memref<80xi32, #tpu.memory_space<vmem>>)
      tpu.yield
    }) : () -> ()
    "tpu.region"() ({
      %run_scoped3A = tpu.sem_alloc : memref<!tpu.dma_semaphore, #tpu.memory_space<semaphore_mem>>
      %dma_start3A_34 = tpu.memref_slice %arg4[%multiple_of3A] : memref<320000xi32, #tpu.memory_space<hbm>> -> memref<80xi32, #tpu.memory_space<hbm>>
      %dma_start3A_35 = tpu.memref_slice %arg4[%multiple_of3A] : memref<320000xi32, #tpu.memory_space<hbm>> -> memref<80xi32, #tpu.memory_space<hbm>>
      tpu.enqueue_dma source(%dma_start3A_35 : memref<80xi32, #tpu.memory_space<hbm>>) target(%arg10 : memref<80xi32, #tpu.memory_space<vmem>>) target_semaphore(%run_scoped3A : memref<!tpu.dma_semaphore, #tpu.memory_space<semaphore_mem>>)
      %dma_wait3A_36 = tpu.memref_slice %arg4[%multiple_of3A] : memref<320000xi32, #tpu.memory_space<hbm>> -> memref<80xi32, #tpu.memory_space<hbm>>
      %dma_wait3A_37 = tpu.memref_slice %arg4[%multiple_of3A] : memref<320000xi32, #tpu.memory_space<hbm>> -> memref<80xi32, #tpu.memory_space<hbm>>
      tpu.wait_dma2 semaphore(%run_scoped3A : memref<!tpu.dma_semaphore, #tpu.memory_space<semaphore_mem>>) src(%dma_wait3A_37 : memref<80xi32, #tpu.memory_space<hbm>>) dst(%arg10 : memref<80xi32, #tpu.memory_space<vmem>>)
      tpu.yield
    }) : () -> ()
    %dma_start3A = arith.constant 0 : i32
    %dma_start3A_13 = arith.constant 0 : i32
    %dma_start3A_14 = tpu.memref_slice %arg2[%dma_start3A, %dma_start3A_13] : memref<10240x128xf32, #tpu.memory_space<hbm>> -> memref<10240x128xf32, #tpu.memory_space<hbm>>
    tpu.enqueue_indirect_dma source(%dma_start3A_14 : memref<10240x128xf32, #tpu.memory_space<hbm>>) target(%arg12 : memref<80x128xf32, #tpu.memory_space<vmem>>) offsets(%arg8 : memref<80xi32, #tpu.memory_space<vmem>>) semaphore(%arg15 : memref<!tpu.dma_semaphore, #tpu.memory_space<semaphore_mem>>)
    %scan3A = arith.constant 0 : i32
    %scan3A_15 = arith.constant 0 : i32
    %scan3A_16 = arith.constant 62 : i32
    %scan3A_17 = arith.addi %scan3A_15, %scan3A_16 : i32
    %scan3A_18 = arith.constant 1 : i32
    %scan3A_19 = scf.for %scan3A_34 = %scan3A_15 to %scan3A_17 step %scan3A_18 iter_args(%scan3A_35 = %scan3A) -> (i32)  : i32 {
      %mul3A_36 = arith.constant 2 : i32
      %mul3A_37 = arith.muli %mul3A_36, %scan3A_34 : i32
      %add3A_38 = arith.constant 0 : i32
      %add3A_39 = arith.addi %mul3A_37, %add3A_38 : i32
      %add3A_40 = arith.constant 1 : i32
      %add3A_41 = arith.addi %add3A_39, %add3A_40 : i32
      %mul3A_42 = arith.constant 80 : i32
      %mul3A_43 = arith.muli %add3A_41, %mul3A_42 : i32
      %add3A_44 = arith.addi %mul3A_4, %mul3A_43 : i32
      %multiple_of3A_45 = tpu.assume_multiple %add3A_44, 8 : i32
      "tpu.region"() ({
        %run_scoped3A = tpu.sem_alloc : memref<!tpu.dma_semaphore, #tpu.memory_space<semaphore_mem>>
        %dma_start3A_69 = tpu.memref_slice %arg3[%multiple_of3A_45] : memref<320000xi32, #tpu.memory_space<hbm>> -> memref<80xi32, #tpu.memory_space<hbm>>
        %dma_start3A_70 = tpu.memref_slice %arg3[%multiple_of3A_45] : memref<320000xi32, #tpu.memory_space<hbm>> -> memref<80xi32, #tpu.memory_space<hbm>>
        tpu.enqueue_dma source(%dma_start3A_70 : memref<80xi32, #tpu.memory_space<hbm>>) target(%arg9 : memref<80xi32, #tpu.memory_space<vmem>>) target_semaphore(%run_scoped3A : memref<!tpu.dma_semaphore, #tpu.memory_space<semaphore_mem>>)
        %dma_wait3A_71 = tpu.memref_slice %arg3[%multiple_of3A_45] : memref<320000xi32, #tpu.memory_space<hbm>> -> memref<80xi32, #tpu.memory_space<hbm>>
        %dma_wait3A_72 = tpu.memref_slice %arg3[%multiple_of3A_45] : memref<320000xi32, #tpu.memory_space<hbm>> -> memref<80xi32, #tpu.memory_space<hbm>>
        tpu.wait_dma2 semaphore(%run_scoped3A : memref<!tpu.dma_semaphore, #tpu.memory_space<semaphore_mem>>) src(%dma_wait3A_72 : memref<80xi32, #tpu.memory_space<hbm>>) dst(%arg9 : memref<80xi32, #tpu.memory_space<vmem>>)
        tpu.yield
      }) : () -> ()
      "tpu.region"() ({
        %run_scoped3A = tpu.sem_alloc : memref<!tpu.dma_semaphore, #tpu.memory_space<semaphore_mem>>
        %dma_start3A_69 = tpu.memref_slice %arg4[%multiple_of3A_45] : memref<320000xi32, #tpu.memory_space<hbm>> -> memref<80xi32, #tpu.memory_space<hbm>>
        %dma_start3A_70 = tpu.memref_slice %arg4[%multiple_of3A_45] : memref<320000xi32, #tpu.memory_space<hbm>> -> memref<80xi32, #tpu.memory_space<hbm>>
        tpu.enqueue_dma source(%dma_start3A_70 : memref<80xi32, #tpu.memory_space<hbm>>) target(%arg11 : memref<80xi32, #tpu.memory_space<vmem>>) target_semaphore(%run_scoped3A : memref<!tpu.dma_semaphore, #tpu.memory_space<semaphore_mem>>)
        %dma_wait3A_71 = tpu.memref_slice %arg4[%multiple_of3A_45] : memref<320000xi32, #tpu.memory_space<hbm>> -> memref<80xi32, #tpu.memory_space<hbm>>
        %dma_wait3A_72 = tpu.memref_slice %arg4[%multiple_of3A_45] : memref<320000xi32, #tpu.memory_space<hbm>> -> memref<80xi32, #tpu.memory_space<hbm>>
        tpu.wait_dma2 semaphore(%run_scoped3A : memref<!tpu.dma_semaphore, #tpu.memory_space<semaphore_mem>>) src(%dma_wait3A_72 : memref<80xi32, #tpu.memory_space<hbm>>) dst(%arg11 : memref<80xi32, #tpu.memory_space<vmem>>)
        tpu.yield
      }) : () -> ()
      %dma_start3A_46 = arith.constant 0 : i32
      %dma_start3A_47 = arith.constant 0 : i32
      %dma_start3A_48 = tpu.memref_slice %arg2[%dma_start3A_46, %dma_start3A_47] : memref<10240x128xf32, #tpu.memory_space<hbm>> -> memref<10240x128xf32, #tpu.memory_space<hbm>>
      tpu.enqueue_indirect_dma source(%dma_start3A_48 : memref<10240x128xf32, #tpu.memory_space<hbm>>) target(%arg13 : memref<80x128xf32, #tpu.memory_space<vmem>>) offsets(%arg9 : memref<80xi32, #tpu.memory_space<vmem>>) semaphore(%arg16 : memref<!tpu.dma_semaphore, #tpu.memory_space<semaphore_mem>>)
      %dma_wait3A_49 = arith.constant 0 : i32
      %dma_wait3A_50 = arith.constant 0 : i32
      %dma_wait3A_51 = tpu.memref_slice %arg2[%dma_wait3A_49, %dma_wait3A_50] : memref<10240x128xf32, #tpu.memory_space<hbm>> -> memref<10240x128xf32, #tpu.memory_space<hbm>>
      tpu.wait_indirect_dma semaphore(%arg15 : memref<!tpu.dma_semaphore, #tpu.memory_space<semaphore_mem>>) src(%dma_wait3A_51 : memref<10240x128xf32, #tpu.memory_space<hbm>>) dst(%arg12 : memref<80x128xf32, #tpu.memory_space<vmem>>)
      "tpu.region"() ({
        %run_scoped3A = tpu.sem_alloc : memref<!tpu.dma_semaphore, #tpu.memory_space<semaphore_mem>>
        %dma_start3A_69 = arith.constant 0 : i32
        %dma_start3A_70 = arith.constant 0 : i32
        %dma_start3A_71 = tpu.memref_slice %arg14[%dma_start3A_69, %dma_start3A_70] : memref<10240x128xf32, #tpu.memory_space<vmem_shared>> -> memref<10240x128xf32, #tpu.memory_space<vmem_shared>>
        tpu.enqueue_indirect_dma source(%arg12 : memref<80x128xf32, #tpu.memory_space<vmem>>) target(%dma_start3A_71 : memref<10240x128xf32, #tpu.memory_space<vmem_shared>>) offsets(%arg10 : memref<80xi32, #tpu.memory_space<vmem>>) semaphore(%run_scoped3A : memref<!tpu.dma_semaphore, #tpu.memory_space<semaphore_mem>>) {add = true}
        %dma_wait3A_72 = arith.constant 0 : i32
        %dma_wait3A_73 = arith.constant 0 : i32
        %dma_wait3A_74 = tpu.memref_slice %arg14[%dma_wait3A_72, %dma_wait3A_73] : memref<10240x128xf32, #tpu.memory_space<vmem_shared>> -> memref<10240x128xf32, #tpu.memory_space<vmem_shared>>
        tpu.wait_indirect_dma semaphore(%run_scoped3A : memref<!tpu.dma_semaphore, #tpu.memory_space<semaphore_mem>>) src(%arg12 : memref<80x128xf32, #tpu.memory_space<vmem>>) dst(%dma_wait3A_74 : memref<10240x128xf32, #tpu.memory_space<vmem_shared>>)
        tpu.yield
      }) : () -> ()
      %mul3A_52 = arith.constant 2 : i32
      %mul3A_53 = arith.muli %mul3A_52, %scan3A_34 : i32
      %add3A_54 = arith.constant 1 : i32
      %add3A_55 = arith.addi %mul3A_53, %add3A_54 : i32
      %add3A_56 = arith.constant 1 : i32
      %add3A_57 = arith.addi %add3A_55, %add3A_56 : i32
      %mul3A_58 = arith.constant 80 : i32
      %mul3A_59 = arith.muli %add3A_57, %mul3A_58 : i32
      %add3A_60 = arith.addi %mul3A_4, %mul3A_59 : i32
      %multiple_of3A_61 = tpu.assume_multiple %add3A_60, 8 : i32
      "tpu.region"() ({
        %run_scoped3A = tpu.sem_alloc : memref<!tpu.dma_semaphore, #tpu.memory_space<semaphore_mem>>
        %dma_start3A_69 = tpu.memref_slice %arg3[%multiple_of3A_61] : memref<320000xi32, #tpu.memory_space<hbm>> -> memref<80xi32, #tpu.memory_space<hbm>>
        %dma_start3A_70 = tpu.memref_slice %arg3[%multiple_of3A_61] : memref<320000xi32, #tpu.memory_space<hbm>> -> memref<80xi32, #tpu.memory_space<hbm>>
        tpu.enqueue_dma source(%dma_start3A_70 : memref<80xi32, #tpu.memory_space<hbm>>) target(%arg8 : memref<80xi32, #tpu.memory_space<vmem>>) target_semaphore(%run_scoped3A : memref<!tpu.dma_semaphore, #tpu.memory_space<semaphore_mem>>)
        %dma_wait3A_71 = tpu.memref_slice %arg3[%multiple_of3A_61] : memref<320000xi32, #tpu.memory_space<hbm>> -> memref<80xi32, #tpu.memory_space<hbm>>
        %dma_wait3A_72 = tpu.memref_slice %arg3[%multiple_of3A_61] : memref<320000xi32, #tpu.memory_space<hbm>> -> memref<80xi32, #tpu.memory_space<hbm>>
        tpu.wait_dma2 semaphore(%run_scoped3A : memref<!tpu.dma_semaphore, #tpu.memory_space<semaphore_mem>>) src(%dma_wait3A_72 : memref<80xi32, #tpu.memory_space<hbm>>) dst(%arg8 : memref<80xi32, #tpu.memory_space<vmem>>)
        tpu.yield
      }) : () -> ()
      "tpu.region"() ({
        %run_scoped3A = tpu.sem_alloc : memref<!tpu.dma_semaphore, #tpu.memory_space<semaphore_mem>>
        %dma_start3A_69 = tpu.memref_slice %arg4[%multiple_of3A_61] : memref<320000xi32, #tpu.memory_space<hbm>> -> memref<80xi32, #tpu.memory_space<hbm>>
        %dma_start3A_70 = tpu.memref_slice %arg4[%multiple_of3A_61] : memref<320000xi32, #tpu.memory_space<hbm>> -> memref<80xi32, #tpu.memory_space<hbm>>
        tpu.enqueue_dma source(%dma_start3A_70 : memref<80xi32, #tpu.memory_space<hbm>>) target(%arg10 : memref<80xi32, #tpu.memory_space<vmem>>) target_semaphore(%run_scoped3A : memref<!tpu.dma_semaphore, #tpu.memory_space<semaphore_mem>>)
        %dma_wait3A_71 = tpu.memref_slice %arg4[%multiple_of3A_61] : memref<320000xi32, #tpu.memory_space<hbm>> -> memref<80xi32, #tpu.memory_space<hbm>>
        %dma_wait3A_72 = tpu.memref_slice %arg4[%multiple_of3A_61] : memref<320000xi32, #tpu.memory_space<hbm>> -> memref<80xi32, #tpu.memory_space<hbm>>
        tpu.wait_dma2 semaphore(%run_scoped3A : memref<!tpu.dma_semaphore, #tpu.memory_space<semaphore_mem>>) src(%dma_wait3A_72 : memref<80xi32, #tpu.memory_space<hbm>>) dst(%arg10 : memref<80xi32, #tpu.memory_space<vmem>>)
        tpu.yield
      }) : () -> ()
      %dma_start3A_62 = arith.constant 0 : i32
      %dma_start3A_63 = arith.constant 0 : i32
      %dma_start3A_64 = tpu.memref_slice %arg2[%dma_start3A_62, %dma_start3A_63] : memref<10240x128xf32, #tpu.memory_space<hbm>> -> memref<10240x128xf32, #tpu.memory_space<hbm>>
      tpu.enqueue_indirect_dma source(%dma_start3A_64 : memref<10240x128xf32, #tpu.memory_space<hbm>>) target(%arg12 : memref<80x128xf32, #tpu.memory_space<vmem>>) offsets(%arg8 : memref<80xi32, #tpu.memory_space<vmem>>) semaphore(%arg15 : memref<!tpu.dma_semaphore, #tpu.memory_space<semaphore_mem>>)
      %dma_wait3A_65 = arith.constant 0 : i32
      %dma_wait3A_66 = arith.constant 0 : i32
      %dma_wait3A_67 = tpu.memref_slice %arg2[%dma_wait3A_65, %dma_wait3A_66] : memref<10240x128xf32, #tpu.memory_space<hbm>> -> memref<10240x128xf32, #tpu.memory_space<hbm>>
      tpu.wait_indirect_dma semaphore(%arg16 : memref<!tpu.dma_semaphore, #tpu.memory_space<semaphore_mem>>) src(%dma_wait3A_67 : memref<10240x128xf32, #tpu.memory_space<hbm>>) dst(%arg13 : memref<80x128xf32, #tpu.memory_space<vmem>>)
      "tpu.region"() ({
        %run_scoped3A = tpu.sem_alloc : memref<!tpu.dma_semaphore, #tpu.memory_space<semaphore_mem>>
        %dma_start3A_69 = arith.constant 0 : i32
        %dma_start3A_70 = arith.constant 0 : i32
        %dma_start3A_71 = tpu.memref_slice %arg14[%dma_start3A_69, %dma_start3A_70] : memref<10240x128xf32, #tpu.memory_space<vmem_shared>> -> memref<10240x128xf32, #tpu.memory_space<vmem_shared>>
        tpu.enqueue_indirect_dma source(%arg13 : memref<80x128xf32, #tpu.memory_space<vmem>>) target(%dma_start3A_71 : memref<10240x128xf32, #tpu.memory_space<vmem_shared>>) offsets(%arg11 : memref<80xi32, #tpu.memory_space<vmem>>) semaphore(%run_scoped3A : memref<!tpu.dma_semaphore, #tpu.memory_space<semaphore_mem>>) {add = true}
        %dma_wait3A_72 = arith.constant 0 : i32
        %dma_wait3A_73 = arith.constant 0 : i32
        %dma_wait3A_74 = tpu.memref_slice %arg14[%dma_wait3A_72, %dma_wait3A_73] : memref<10240x128xf32, #tpu.memory_space<vmem_shared>> -> memref<10240x128xf32, #tpu.memory_space<vmem_shared>>
        tpu.wait_indirect_dma semaphore(%run_scoped3A : memref<!tpu.dma_semaphore, #tpu.memory_space<semaphore_mem>>) src(%arg13 : memref<80x128xf32, #tpu.memory_space<vmem>>) dst(%dma_wait3A_74 : memref<10240x128xf32, #tpu.memory_space<vmem_shared>>)
        tpu.yield
      }) : () -> ()
      %scan3A_68 = arith.constant 0 : i32
      scf.yield %scan3A_68 : i32
    }
    %scan3A_20 = arith.constant 62 : i32
    %dma_wait3A = arith.constant 0 : i32
    %dma_wait3A_21 = arith.constant 0 : i32
    %dma_wait3A_22 = tpu.memref_slice %arg2[%dma_wait3A, %dma_wait3A_21] : memref<10240x128xf32, #tpu.memory_space<hbm>> -> memref<10240x128xf32, #tpu.memory_space<hbm>>
    tpu.wait_indirect_dma semaphore(%arg15 : memref<!tpu.dma_semaphore, #tpu.memory_space<semaphore_mem>>) src(%dma_wait3A_22 : memref<10240x128xf32, #tpu.memory_space<hbm>>) dst(%arg12 : memref<80x128xf32, #tpu.memory_space<vmem>>)
    "tpu.region"() ({
      %run_scoped3A = tpu.sem_alloc : memref<!tpu.dma_semaphore, #tpu.memory_space<semaphore_mem>>
      %dma_start3A_34 = arith.constant 0 : i32
      %dma_start3A_35 = arith.constant 0 : i32
      %dma_start3A_36 = tpu.memref_slice %arg14[%dma_start3A_34, %dma_start3A_35] : memref<10240x128xf32, #tpu.memory_space<vmem_shared>> -> memref<10240x128xf32, #tpu.memory_space<vmem_shared>>
      tpu.enqueue_indirect_dma source(%arg12 : memref<80x128xf32, #tpu.memory_space<vmem>>) target(%dma_start3A_36 : memref<10240x128xf32, #tpu.memory_space<vmem_shared>>) offsets(%arg10 : memref<80xi32, #tpu.memory_space<vmem>>) semaphore(%run_scoped3A : memref<!tpu.dma_semaphore, #tpu.memory_space<semaphore_mem>>) {add = true}
      %dma_wait3A_37 = arith.constant 0 : i32
      %dma_wait3A_38 = arith.constant 0 : i32
      %dma_wait3A_39 = tpu.memref_slice %arg14[%dma_wait3A_37, %dma_wait3A_38] : memref<10240x128xf32, #tpu.memory_space<vmem_shared>> -> memref<10240x128xf32, #tpu.memory_space<vmem_shared>>
      tpu.wait_indirect_dma semaphore(%run_scoped3A : memref<!tpu.dma_semaphore, #tpu.memory_space<semaphore_mem>>) src(%arg12 : memref<80x128xf32, #tpu.memory_space<vmem>>) dst(%dma_wait3A_39 : memref<10240x128xf32, #tpu.memory_space<vmem_shared>>)
      tpu.yield
    }) : () -> ()
    %barrier3A_23 = arith.constant 0 : index
    tpu.barrier barrier_id(%barrier3A_23)
    %eq3A_24 = arith.constant 0 : i32
    %eq3A_25 = arith.cmpi eq, %arg0, %eq3A_24 : i32
    %convert_element_type3A_26 = arith.extui %eq3A_25 : i1 to i32
    %cond3A_27 = arith.constant 0 : i32
    %cond3A_28 = arith.cmpi ne, %convert_element_type3A_26, %cond3A_27 : i32
    scf.if %cond3A_28 {
      "tpu.region"() ({
        %run_scoped3A = tpu.sem_alloc : memref<!tpu.dma_semaphore, #tpu.memory_space<semaphore_mem>>
        %dma_start3A_34 = arith.constant 0 : i32
        %dma_start3A_35 = tpu.memref_slice %arg6[%mul3A_0, %dma_start3A_34] : memref<10240x128xf32, #tpu.memory_space<hbm>> -> memref<640x128xf32, #tpu.memory_space<hbm>>
        %dma_start3A_36 = arith.constant 0 : i32
        %dma_start3A_37 = tpu.memref_slice %arg14[%mul3A_0, %dma_start3A_36] : memref<10240x128xf32, #tpu.memory_space<vmem_shared>> -> memref<640x128xf32, #tpu.memory_space<vmem_shared>>
        tpu.enqueue_dma source(%dma_start3A_37 : memref<640x128xf32, #tpu.memory_space<vmem_shared>>) target(%dma_start3A_35 : memref<640x128xf32, #tpu.memory_space<hbm>>) target_semaphore(%run_scoped3A : memref<!tpu.dma_semaphore, #tpu.memory_space<semaphore_mem>>)
        %dma_wait3A_38 = arith.constant 0 : i32
        %dma_wait3A_39 = tpu.memref_slice %arg6[%mul3A_0, %dma_wait3A_38] : memref<10240x128xf32, #tpu.memory_space<hbm>> -> memref<640x128xf32, #tpu.memory_space<hbm>>
        %dma_wait3A_40 = arith.constant 0 : i32
        %dma_wait3A_41 = tpu.memref_slice %arg14[%mul3A_0, %dma_wait3A_40] : memref<10240x128xf32, #tpu.memory_space<vmem_shared>> -> memref<640x128xf32, #tpu.memory_space<vmem_shared>>
        tpu.wait_dma2 semaphore(%run_scoped3A : memref<!tpu.dma_semaphore, #tpu.memory_space<semaphore_mem>>) src(%dma_wait3A_41 : memref<640x128xf32, #tpu.memory_space<vmem_shared>>) dst(%dma_wait3A_39 : memref<640x128xf32, #tpu.memory_space<hbm>>)
        tpu.yield
      }) : () -> ()
    } else {
    }
    %ne3A_29 = arith.constant 0 : i32
    %ne3A_30 = arith.cmpi ne, %arg0, %ne3A_29 : i32
    %convert_element_type3A_31 = arith.extui %ne3A_30 : i1 to i32
    %cond3A_32 = arith.constant 0 : i32
    %cond3A_33 = arith.cmpi ne, %convert_element_type3A_31, %cond3A_32 : i32
    scf.if %cond3A_33 {
      "tpu.region"() ({
        %run_scoped3A = tpu.sem_alloc : memref<!tpu.dma_semaphore, #tpu.memory_space<semaphore_mem>>
        %dma_start3A_34 = arith.constant 0 : i32
        %dma_start3A_35 = tpu.memref_slice %arg7[%mul3A_0, %dma_start3A_34] : memref<10240x128xf32, #tpu.memory_space<hbm>> -> memref<640x128xf32, #tpu.memory_space<hbm>>
        %dma_start3A_36 = arith.constant 0 : i32
        %dma_start3A_37 = tpu.memref_slice %arg14[%mul3A_0, %dma_start3A_36] : memref<10240x128xf32, #tpu.memory_space<vmem_shared>> -> memref<640x128xf32, #tpu.memory_space<vmem_shared>>
        tpu.enqueue_dma source(%dma_start3A_37 : memref<640x128xf32, #tpu.memory_space<vmem_shared>>) target(%dma_start3A_35 : memref<640x128xf32, #tpu.memory_space<hbm>>) target_semaphore(%run_scoped3A : memref<!tpu.dma_semaphore, #tpu.memory_space<semaphore_mem>>)
        %dma_wait3A_38 = arith.constant 0 : i32
        %dma_wait3A_39 = tpu.memref_slice %arg7[%mul3A_0, %dma_wait3A_38] : memref<10240x128xf32, #tpu.memory_space<hbm>> -> memref<640x128xf32, #tpu.memory_space<hbm>>
        %dma_wait3A_40 = arith.constant 0 : i32
        %dma_wait3A_41 = tpu.memref_slice %arg14[%mul3A_0, %dma_wait3A_40] : memref<10240x128xf32, #tpu.memory_space<vmem_shared>> -> memref<640x128xf32, #tpu.memory_space<vmem_shared>>
        tpu.wait_dma2 semaphore(%run_scoped3A : memref<!tpu.dma_semaphore, #tpu.memory_space<semaphore_mem>>) src(%dma_wait3A_41 : memref<640x128xf32, #tpu.memory_space<vmem_shared>>) dst(%dma_wait3A_39 : memref<640x128xf32, #tpu.memory_space<hbm>>)
        tpu.yield
      }) : () -> ()
    } else {
    }
    return
  }
}

#map = affine_map<(d0, d1) -> (0, 0)>
#map1 = affine_map<(d0, d1) -> (0)>
module attributes {stable_mosaic.version = 14 : i64} {
  func.func @body(%arg0: i32, %arg1: i32, %arg2: memref<10240x128xf32, #tpu.memory_space<hbm>>, %arg3: memref<320000xi32, #tpu.memory_space<hbm>>, %arg4: memref<320000xi32, #tpu.memory_space<hbm>>, %arg5: memref<640x128xf32, #tpu.memory_space<hbm>>, %arg6: memref<10240x128xf32, #tpu.memory_space<hbm>>, %arg7: memref<10240x128xf32, #tpu.memory_space<hbm>>, %arg8: memref<80xi32, #tpu.memory_space<vmem>>, %arg9: memref<80xi32, #tpu.memory_space<vmem>>, %arg10: memref<80xi32, #tpu.memory_space<vmem>>, %arg11: memref<80xi32, #tpu.memory_space<vmem>>, %arg12: memref<80x128xf32, #tpu.memory_space<vmem>>, %arg13: memref<80x128xf32, #tpu.memory_space<vmem>>, %arg14: memref<10240x128xf32, #tpu.memory_space<vmem_shared>>, %arg15: memref<!tpu.dma_semaphore, #tpu.memory_space<semaphore_mem>>, %arg16: memref<!tpu.dma_semaphore, #tpu.memory_space<semaphore_mem>>) attributes {dimension_semantics = [#tpu.dimension_semantics<core_parallel>, #tpu.dimension_semantics<subcore_parallel>], iteration_bounds = array<i64: 2, 16>, scalar_prefetch = 0 : i64, scratch_operands = 9 : i64, tpu.core_type = #tpu.core_type<sc_vector_subcore>, window_params = [{transform_indices = #map}, {transform_indices = #map1}, {transform_indices = #map1}, {transform_indices = #map}, {transform_indices = #map}, {transform_indices = #map}]} {
    %mul3A = arith.constant 640 : i32
    %mul3A_0 = arith.muli %arg1, %mul3A : i32
    %mul3A_1 = arith.constant 16 : i32
    %mul3A_2 = arith.muli %arg0, %mul3A_1 : i32
    %add3A = arith.addi %mul3A_2, %arg1 : i32
    %mul3A_3 = arith.constant 10000 : i32
    %mul3A_4 = arith.muli %add3A, %mul3A_3 : i32
    %eq3A = arith.constant 0 : i32
    %eq3A_5 = arith.cmpi eq, %arg0, %eq3A : i32
    %convert_element_type3A = arith.extui %eq3A_5 : i1 to i32
    %cond3A = arith.constant 0 : i32
    %cond3A_6 = arith.cmpi ne, %convert_element_type3A, %cond3A : i32
    scf.if %cond3A_6 {
      "tpu.region"() ({
        %run_scoped3A = tpu.sem_alloc : memref<!tpu.dma_semaphore, #tpu.memory_space<semaphore_mem>>
        %dma_start3A_34 = arith.constant 0 : i32
        %dma_start3A_35 = tpu.memref_slice %arg14[%mul3A_0, %dma_start3A_34] : memref<10240x128xf32, #tpu.memory_space<vmem_shared>> -> memref<640x128xf32, #tpu.memory_space<vmem_shared>>
        %dma_start3A_36 = arith.constant 0 : i32
        %dma_start3A_37 = tpu.memref_slice %arg2[%mul3A_0, %dma_start3A_36] : memref<10240x128xf32, #tpu.memory_space<hbm>> -> memref<640x128xf32, #tpu.memory_space<hbm>>
        tpu.enqueue_dma source(%dma_start3A_37 : memref<640x128xf32, #tpu.memory_space<hbm>>) target(%dma_start3A_35 : memref<640x128xf32, #tpu.memory_space<vmem_shared>>) target_semaphore(%run_scoped3A : memref<!tpu.dma_semaphore, #tpu.memory_space<semaphore_mem>>)
        %dma_wait3A_38 = arith.constant 0 : i32
        %dma_wait3A_39 = tpu.memref_slice %arg14[%mul3A_0, %dma_wait3A_38] : memref<10240x128xf32, #tpu.memory_space<vmem_shared>> -> memref<640x128xf32, #tpu.memory_space<vmem_shared>>
        %dma_wait3A_40 = arith.constant 0 : i32
        %dma_wait3A_41 = tpu.memref_slice %arg2[%mul3A_0, %dma_wait3A_40] : memref<10240x128xf32, #tpu.memory_space<hbm>> -> memref<640x128xf32, #tpu.memory_space<hbm>>
        tpu.wait_dma2 semaphore(%run_scoped3A : memref<!tpu.dma_semaphore, #tpu.memory_space<semaphore_mem>>) src(%dma_wait3A_41 : memref<640x128xf32, #tpu.memory_space<hbm>>) dst(%dma_wait3A_39 : memref<640x128xf32, #tpu.memory_space<vmem_shared>>)
        tpu.yield
      }) : () -> ()
    } else {
    }
    %ne3A = arith.constant 0 : i32
    %ne3A_7 = arith.cmpi ne, %arg0, %ne3A : i32
    %convert_element_type3A_8 = arith.extui %ne3A_7 : i1 to i32
    %cond3A_9 = arith.constant 0 : i32
    %cond3A_10 = arith.cmpi ne, %convert_element_type3A_8, %cond3A_9 : i32
    scf.if %cond3A_10 {
      "tpu.region"() ({
        %run_scoped3A = tpu.sem_alloc : memref<!tpu.dma_semaphore, #tpu.memory_space<semaphore_mem>>
        %dma_start3A_34 = arith.constant 0 : i32
        %dma_start3A_35 = tpu.memref_slice %arg14[%mul3A_0, %dma_start3A_34] : memref<10240x128xf32, #tpu.memory_space<vmem_shared>> -> memref<640x128xf32, #tpu.memory_space<vmem_shared>>
        tpu.enqueue_dma source(%arg5 : memref<640x128xf32, #tpu.memory_space<hbm>>) target(%dma_start3A_35 : memref<640x128xf32, #tpu.memory_space<vmem_shared>>) target_semaphore(%run_scoped3A : memref<!tpu.dma_semaphore, #tpu.memory_space<semaphore_mem>>)
        %dma_wait3A_36 = arith.constant 0 : i32
        %dma_wait3A_37 = tpu.memref_slice %arg14[%mul3A_0, %dma_wait3A_36] : memref<10240x128xf32, #tpu.memory_space<vmem_shared>> -> memref<640x128xf32, #tpu.memory_space<vmem_shared>>
        tpu.wait_dma2 semaphore(%run_scoped3A : memref<!tpu.dma_semaphore, #tpu.memory_space<semaphore_mem>>) src(%arg5 : memref<640x128xf32, #tpu.memory_space<hbm>>) dst(%dma_wait3A_37 : memref<640x128xf32, #tpu.memory_space<vmem_shared>>)
        tpu.yield
      }) : () -> ()
    } else {
    }
    %barrier3A = arith.constant 0 : index
    tpu.barrier barrier_id(%barrier3A)
    %add3A_11 = arith.constant 0 : i32
    %add3A_12 = arith.addi %mul3A_4, %add3A_11 : i32
    %multiple_of3A = tpu.assume_multiple %add3A_12, 8 : i32
    "tpu.region"() ({
      %run_scoped3A = tpu.sem_alloc : memref<!tpu.dma_semaphore, #tpu.memory_space<semaphore_mem>>
      %dma_start3A_34 = tpu.memref_slice %arg3[%multiple_of3A] : memref<320000xi32, #tpu.memory_space<hbm>> -> memref<80xi32, #tpu.memory_space<hbm>>
      %dma_start3A_35 = tpu.memref_slice %arg3[%multiple_of3A] : memref<320000xi32, #tpu.memory_space<hbm>> -> memref<80xi32, #tpu.memory_space<hbm>>
      tpu.enqueue_dma source(%dma_start3A_35 : memref<80xi32, #tpu.memory_space<hbm>>) target(%arg8 : memref<80xi32, #tpu.memory_space<vmem>>) target_semaphore(%run_scoped3A : memref<!tpu.dma_semaphore, #tpu.memory_space<semaphore_mem>>)
      %dma_wait3A_36 = tpu.memref_slice %arg3[%multiple_of3A] : memref<320000xi32, #tpu.memory_space<hbm>> -> memref<80xi32, #tpu.memory_space<hbm>>
      %dma_wait3A_37 = tpu.memref_slice %arg3[%multiple_of3A] : memref<320000xi32, #tpu.memory_space<hbm>> -> memref<80xi32, #tpu.memory_space<hbm>>
      tpu.wait_dma2 semaphore(%run_scoped3A : memref<!tpu.dma_semaphore, #tpu.memory_space<semaphore_mem>>) src(%dma_wait3A_37 : memref<80xi32, #tpu.memory_space<hbm>>) dst(%arg8 : memref<80xi32, #tpu.memory_space<vmem>>)
      tpu.yield
    }) : () -> ()
    "tpu.region"() ({
      %run_scoped3A = tpu.sem_alloc : memref<!tpu.dma_semaphore, #tpu.memory_space<semaphore_mem>>
      %dma_start3A_34 = tpu.memref_slice %arg4[%multiple_of3A] : memref<320000xi32, #tpu.memory_space<hbm>> -> memref<80xi32, #tpu.memory_space<hbm>>
      %dma_start3A_35 = tpu.memref_slice %arg4[%multiple_of3A] : memref<320000xi32, #tpu.memory_space<hbm>> -> memref<80xi32, #tpu.memory_space<hbm>>
      tpu.enqueue_dma source(%dma_start3A_35 : memref<80xi32, #tpu.memory_space<hbm>>) target(%arg10 : memref<80xi32, #tpu.memory_space<vmem>>) target_semaphore(%run_scoped3A : memref<!tpu.dma_semaphore, #tpu.memory_space<semaphore_mem>>)
      %dma_wait3A_36 = tpu.memref_slice %arg4[%multiple_of3A] : memref<320000xi32, #tpu.memory_space<hbm>> -> memref<80xi32, #tpu.memory_space<hbm>>
      %dma_wait3A_37 = tpu.memref_slice %arg4[%multiple_of3A] : memref<320000xi32, #tpu.memory_space<hbm>> -> memref<80xi32, #tpu.memory_space<hbm>>
      tpu.wait_dma2 semaphore(%run_scoped3A : memref<!tpu.dma_semaphore, #tpu.memory_space<semaphore_mem>>) src(%dma_wait3A_37 : memref<80xi32, #tpu.memory_space<hbm>>) dst(%arg10 : memref<80xi32, #tpu.memory_space<vmem>>)
      tpu.yield
    }) : () -> ()
    %dma_start3A = arith.constant 0 : i32
    %dma_start3A_13 = arith.constant 0 : i32
    %dma_start3A_14 = tpu.memref_slice %arg2[%dma_start3A, %dma_start3A_13] : memref<10240x128xf32, #tpu.memory_space<hbm>> -> memref<10240x128xf32, #tpu.memory_space<hbm>>
    tpu.enqueue_indirect_dma source(%dma_start3A_14 : memref<10240x128xf32, #tpu.memory_space<hbm>>) target(%arg12 : memref<80x128xf32, #tpu.memory_space<vmem>>) offsets(%arg8 : memref<80xi32, #tpu.memory_space<vmem>>) semaphore(%arg15 : memref<!tpu.dma_semaphore, #tpu.memory_space<semaphore_mem>>)
    %scan3A = arith.constant 0 : i32
    %scan3A_15 = arith.constant 0 : i32
    %scan3A_16 = arith.constant 62 : i32
    %scan3A_17 = arith.addi %scan3A_15, %scan3A_16 : i32
    %scan3A_18 = arith.constant 1 : i32
    %scan3A_19 = scf.for %scan3A_34 = %scan3A_15 to %scan3A_17 step %scan3A_18 iter_args(%scan3A_35 = %scan3A) -> (i32)  : i32 {
      %mul3A_36 = arith.constant 2 : i32
      %mul3A_37 = arith.muli %mul3A_36, %scan3A_34 : i32
      %add3A_38 = arith.constant 0 : i32
      %add3A_39 = arith.addi %mul3A_37, %add3A_38 : i32
      %add3A_40 = arith.constant 1 : i32
      %add3A_41 = arith.addi %add3A_39, %add3A_40 : i32
      %mul3A_42 = arith.constant 80 : i32
      %mul3A_43 = arith.muli %add3A_41, %mul3A_42 : i32
      %add3A_44 = arith.addi %mul3A_4, %mul3A_43 : i32
      %multiple_of3A_45 = tpu.assume_multiple %add3A_44, 8 : i32
      "tpu.region"() ({
        %run_scoped3A = tpu.sem_alloc : memref<!tpu.dma_semaphore, #tpu.memory_space<semaphore_mem>>
        %dma_start3A_69 = tpu.memref_slice %arg3[%multiple_of3A_45] : memref<320000xi32, #tpu.memory_space<hbm>> -> memref<80xi32, #tpu.memory_space<hbm>>
        %dma_start3A_70 = tpu.memref_slice %arg3[%multiple_of3A_45] : memref<320000xi32, #tpu.memory_space<hbm>> -> memref<80xi32, #tpu.memory_space<hbm>>
        tpu.enqueue_dma source(%dma_start3A_70 : memref<80xi32, #tpu.memory_space<hbm>>) target(%arg9 : memref<80xi32, #tpu.memory_space<vmem>>) target_semaphore(%run_scoped3A : memref<!tpu.dma_semaphore, #tpu.memory_space<semaphore_mem>>)
        %dma_wait3A_71 = tpu.memref_slice %arg3[%multiple_of3A_45] : memref<320000xi32, #tpu.memory_space<hbm>> -> memref<80xi32, #tpu.memory_space<hbm>>
        %dma_wait3A_72 = tpu.memref_slice %arg3[%multiple_of3A_45] : memref<320000xi32, #tpu.memory_space<hbm>> -> memref<80xi32, #tpu.memory_space<hbm>>
        tpu.wait_dma2 semaphore(%run_scoped3A : memref<!tpu.dma_semaphore, #tpu.memory_space<semaphore_mem>>) src(%dma_wait3A_72 : memref<80xi32, #tpu.memory_space<hbm>>) dst(%arg9 : memref<80xi32, #tpu.memory_space<vmem>>)
        tpu.yield
      }) : () -> ()
      "tpu.region"() ({
        %run_scoped3A = tpu.sem_alloc : memref<!tpu.dma_semaphore, #tpu.memory_space<semaphore_mem>>
        %dma_start3A_69 = tpu.memref_slice %arg4[%multiple_of3A_45] : memref<320000xi32, #tpu.memory_space<hbm>> -> memref<80xi32, #tpu.memory_space<hbm>>
        %dma_start3A_70 = tpu.memref_slice %arg4[%multiple_of3A_45] : memref<320000xi32, #tpu.memory_space<hbm>> -> memref<80xi32, #tpu.memory_space<hbm>>
        tpu.enqueue_dma source(%dma_start3A_70 : memref<80xi32, #tpu.memory_space<hbm>>) target(%arg11 : memref<80xi32, #tpu.memory_space<vmem>>) target_semaphore(%run_scoped3A : memref<!tpu.dma_semaphore, #tpu.memory_space<semaphore_mem>>)
        %dma_wait3A_71 = tpu.memref_slice %arg4[%multiple_of3A_45] : memref<320000xi32, #tpu.memory_space<hbm>> -> memref<80xi32, #tpu.memory_space<hbm>>
        %dma_wait3A_72 = tpu.memref_slice %arg4[%multiple_of3A_45] : memref<320000xi32, #tpu.memory_space<hbm>> -> memref<80xi32, #tpu.memory_space<hbm>>
        tpu.wait_dma2 semaphore(%run_scoped3A : memref<!tpu.dma_semaphore, #tpu.memory_space<semaphore_mem>>) src(%dma_wait3A_72 : memref<80xi32, #tpu.memory_space<hbm>>) dst(%arg11 : memref<80xi32, #tpu.memory_space<vmem>>)
        tpu.yield
      }) : () -> ()
      %dma_start3A_46 = arith.constant 0 : i32
      %dma_start3A_47 = arith.constant 0 : i32
      %dma_start3A_48 = tpu.memref_slice %arg2[%dma_start3A_46, %dma_start3A_47] : memref<10240x128xf32, #tpu.memory_space<hbm>> -> memref<10240x128xf32, #tpu.memory_space<hbm>>
      tpu.enqueue_indirect_dma source(%dma_start3A_48 : memref<10240x128xf32, #tpu.memory_space<hbm>>) target(%arg13 : memref<80x128xf32, #tpu.memory_space<vmem>>) offsets(%arg9 : memref<80xi32, #tpu.memory_space<vmem>>) semaphore(%arg16 : memref<!tpu.dma_semaphore, #tpu.memory_space<semaphore_mem>>)
      %dma_wait3A_49 = arith.constant 0 : i32
      %dma_wait3A_50 = arith.constant 0 : i32
      %dma_wait3A_51 = tpu.memref_slice %arg2[%dma_wait3A_49, %dma_wait3A_50] : memref<10240x128xf32, #tpu.memory_space<hbm>> -> memref<10240x128xf32, #tpu.memory_space<hbm>>
      tpu.wait_indirect_dma semaphore(%arg15 : memref<!tpu.dma_semaphore, #tpu.memory_space<semaphore_mem>>) src(%dma_wait3A_51 : memref<10240x128xf32, #tpu.memory_space<hbm>>) dst(%arg12 : memref<80x128xf32, #tpu.memory_space<vmem>>)
      "tpu.region"() ({
        %run_scoped3A = tpu.sem_alloc : memref<!tpu.dma_semaphore, #tpu.memory_space<semaphore_mem>>
        %dma_start3A_69 = arith.constant 0 : i32
        %dma_start3A_70 = arith.constant 0 : i32
        %dma_start3A_71 = tpu.memref_slice %arg14[%dma_start3A_69, %dma_start3A_70] : memref<10240x128xf32, #tpu.memory_space<vmem_shared>> -> memref<10240x128xf32, #tpu.memory_space<vmem_shared>>
        tpu.enqueue_indirect_dma source(%arg12 : memref<80x128xf32, #tpu.memory_space<vmem>>) target(%dma_start3A_71 : memref<10240x128xf32, #tpu.memory_space<vmem_shared>>) offsets(%arg10 : memref<80xi32, #tpu.memory_space<vmem>>) semaphore(%run_scoped3A : memref<!tpu.dma_semaphore, #tpu.memory_space<semaphore_mem>>) {add = true}
        %dma_wait3A_72 = arith.constant 0 : i32
        %dma_wait3A_73 = arith.constant 0 : i32
        %dma_wait3A_74 = tpu.memref_slice %arg14[%dma_wait3A_72, %dma_wait3A_73] : memref<10240x128xf32, #tpu.memory_space<vmem_shared>> -> memref<10240x128xf32, #tpu.memory_space<vmem_shared>>
        tpu.wait_indirect_dma semaphore(%run_scoped3A : memref<!tpu.dma_semaphore, #tpu.memory_space<semaphore_mem>>) src(%arg12 : memref<80x128xf32, #tpu.memory_space<vmem>>) dst(%dma_wait3A_74 : memref<10240x128xf32, #tpu.memory_space<vmem_shared>>)
        tpu.yield
      }) : () -> ()
      %mul3A_52 = arith.constant 2 : i32
      %mul3A_53 = arith.muli %mul3A_52, %scan3A_34 : i32
      %add3A_54 = arith.constant 1 : i32
      %add3A_55 = arith.addi %mul3A_53, %add3A_54 : i32
      %add3A_56 = arith.constant 1 : i32
      %add3A_57 = arith.addi %add3A_55, %add3A_56 : i32
      %mul3A_58 = arith.constant 80 : i32
      %mul3A_59 = arith.muli %add3A_57, %mul3A_58 : i32
      %add3A_60 = arith.addi %mul3A_4, %mul3A_59 : i32
      %multiple_of3A_61 = tpu.assume_multiple %add3A_60, 8 : i32
      "tpu.region"() ({
        %run_scoped3A = tpu.sem_alloc : memref<!tpu.dma_semaphore, #tpu.memory_space<semaphore_mem>>
        %dma_start3A_69 = tpu.memref_slice %arg3[%multiple_of3A_61] : memref<320000xi32, #tpu.memory_space<hbm>> -> memref<80xi32, #tpu.memory_space<hbm>>
        %dma_start3A_70 = tpu.memref_slice %arg3[%multiple_of3A_61] : memref<320000xi32, #tpu.memory_space<hbm>> -> memref<80xi32, #tpu.memory_space<hbm>>
        tpu.enqueue_dma source(%dma_start3A_70 : memref<80xi32, #tpu.memory_space<hbm>>) target(%arg8 : memref<80xi32, #tpu.memory_space<vmem>>) target_semaphore(%run_scoped3A : memref<!tpu.dma_semaphore, #tpu.memory_space<semaphore_mem>>)
        %dma_wait3A_71 = tpu.memref_slice %arg3[%multiple_of3A_61] : memref<320000xi32, #tpu.memory_space<hbm>> -> memref<80xi32, #tpu.memory_space<hbm>>
        %dma_wait3A_72 = tpu.memref_slice %arg3[%multiple_of3A_61] : memref<320000xi32, #tpu.memory_space<hbm>> -> memref<80xi32, #tpu.memory_space<hbm>>
        tpu.wait_dma2 semaphore(%run_scoped3A : memref<!tpu.dma_semaphore, #tpu.memory_space<semaphore_mem>>) src(%dma_wait3A_72 : memref<80xi32, #tpu.memory_space<hbm>>) dst(%arg8 : memref<80xi32, #tpu.memory_space<vmem>>)
        tpu.yield
      }) : () -> ()
      "tpu.region"() ({
        %run_scoped3A = tpu.sem_alloc : memref<!tpu.dma_semaphore, #tpu.memory_space<semaphore_mem>>
        %dma_start3A_69 = tpu.memref_slice %arg4[%multiple_of3A_61] : memref<320000xi32, #tpu.memory_space<hbm>> -> memref<80xi32, #tpu.memory_space<hbm>>
        %dma_start3A_70 = tpu.memref_slice %arg4[%multiple_of3A_61] : memref<320000xi32, #tpu.memory_space<hbm>> -> memref<80xi32, #tpu.memory_space<hbm>>
        tpu.enqueue_dma source(%dma_start3A_70 : memref<80xi32, #tpu.memory_space<hbm>>) target(%arg10 : memref<80xi32, #tpu.memory_space<vmem>>) target_semaphore(%run_scoped3A : memref<!tpu.dma_semaphore, #tpu.memory_space<semaphore_mem>>)
        %dma_wait3A_71 = tpu.memref_slice %arg4[%multiple_of3A_61] : memref<320000xi32, #tpu.memory_space<hbm>> -> memref<80xi32, #tpu.memory_space<hbm>>
        %dma_wait3A_72 = tpu.memref_slice %arg4[%multiple_of3A_61] : memref<320000xi32, #tpu.memory_space<hbm>> -> memref<80xi32, #tpu.memory_space<hbm>>
        tpu.wait_dma2 semaphore(%run_scoped3A : memref<!tpu.dma_semaphore, #tpu.memory_space<semaphore_mem>>) src(%dma_wait3A_72 : memref<80xi32, #tpu.memory_space<hbm>>) dst(%arg10 : memref<80xi32, #tpu.memory_space<vmem>>)
        tpu.yield
      }) : () -> ()
      %dma_start3A_62 = arith.constant 0 : i32
      %dma_start3A_63 = arith.constant 0 : i32
      %dma_start3A_64 = tpu.memref_slice %arg2[%dma_start3A_62, %dma_start3A_63] : memref<10240x128xf32, #tpu.memory_space<hbm>> -> memref<10240x128xf32, #tpu.memory_space<hbm>>
      tpu.enqueue_indirect_dma source(%dma_start3A_64 : memref<10240x128xf32, #tpu.memory_space<hbm>>) target(%arg12 : memref<80x128xf32, #tpu.memory_space<vmem>>) offsets(%arg8 : memref<80xi32, #tpu.memory_space<vmem>>) semaphore(%arg15 : memref<!tpu.dma_semaphore, #tpu.memory_space<semaphore_mem>>)
      %dma_wait3A_65 = arith.constant 0 : i32
      %dma_wait3A_66 = arith.constant 0 : i32
      %dma_wait3A_67 = tpu.memref_slice %arg2[%dma_wait3A_65, %dma_wait3A_66] : memref<10240x128xf32, #tpu.memory_space<hbm>> -> memref<10240x128xf32, #tpu.memory_space<hbm>>
      tpu.wait_indirect_dma semaphore(%arg16 : memref<!tpu.dma_semaphore, #tpu.memory_space<semaphore_mem>>) src(%dma_wait3A_67 : memref<10240x128xf32, #tpu.memory_space<hbm>>) dst(%arg13 : memref<80x128xf32, #tpu.memory_space<vmem>>)
      "tpu.region"() ({
        %run_scoped3A = tpu.sem_alloc : memref<!tpu.dma_semaphore, #tpu.memory_space<semaphore_mem>>
        %dma_start3A_69 = arith.constant 0 : i32
        %dma_start3A_70 = arith.constant 0 : i32
        %dma_start3A_71 = tpu.memref_slice %arg14[%dma_start3A_69, %dma_start3A_70] : memref<10240x128xf32, #tpu.memory_space<vmem_shared>> -> memref<10240x128xf32, #tpu.memory_space<vmem_shared>>
        tpu.enqueue_indirect_dma source(%arg13 : memref<80x128xf32, #tpu.memory_space<vmem>>) target(%dma_start3A_71 : memref<10240x128xf32, #tpu.memory_space<vmem_shared>>) offsets(%arg11 : memref<80xi32, #tpu.memory_space<vmem>>) semaphore(%run_scoped3A : memref<!tpu.dma_semaphore, #tpu.memory_space<semaphore_mem>>) {add = true}
        %dma_wait3A_72 = arith.constant 0 : i32
        %dma_wait3A_73 = arith.constant 0 : i32
        %dma_wait3A_74 = tpu.memref_slice %arg14[%dma_wait3A_72, %dma_wait3A_73] : memref<10240x128xf32, #tpu.memory_space<vmem_shared>> -> memref<10240x128xf32, #tpu.memory_space<vmem_shared>>
        tpu.wait_indirect_dma semaphore(%run_scoped3A : memref<!tpu.dma_semaphore, #tpu.memory_space<semaphore_mem>>) src(%arg13 : memref<80x128xf32, #tpu.memory_space<vmem>>) dst(%dma_wait3A_74 : memref<10240x128xf32, #tpu.memory_space<vmem_shared>>)
        tpu.yield
      }) : () -> ()
      %scan3A_68 = arith.constant 0 : i32
      scf.yield %scan3A_68 : i32
    }
    %scan3A_20 = arith.constant 62 : i32
    %dma_wait3A = arith.constant 0 : i32
    %dma_wait3A_21 = arith.constant 0 : i32
    %dma_wait3A_22 = tpu.memref_slice %arg2[%dma_wait3A, %dma_wait3A_21] : memref<10240x128xf32, #tpu.memory_space<hbm>> -> memref<10240x128xf32, #tpu.memory_space<hbm>>
    tpu.wait_indirect_dma semaphore(%arg15 : memref<!tpu.dma_semaphore, #tpu.memory_space<semaphore_mem>>) src(%dma_wait3A_22 : memref<10240x128xf32, #tpu.memory_space<hbm>>) dst(%arg12 : memref<80x128xf32, #tpu.memory_space<vmem>>)
    "tpu.region"() ({
      %run_scoped3A = tpu.sem_alloc : memref<!tpu.dma_semaphore, #tpu.memory_space<semaphore_mem>>
      %dma_start3A_34 = arith.constant 0 : i32
      %dma_start3A_35 = arith.constant 0 : i32
      %dma_start3A_36 = tpu.memref_slice %arg14[%dma_start3A_34, %dma_start3A_35] : memref<10240x128xf32, #tpu.memory_space<vmem_shared>> -> memref<10240x128xf32, #tpu.memory_space<vmem_shared>>
      tpu.enqueue_indirect_dma source(%arg12 : memref<80x128xf32, #tpu.memory_space<vmem>>) target(%dma_start3A_36 : memref<10240x128xf32, #tpu.memory_space<vmem_shared>>) offsets(%arg10 : memref<80xi32, #tpu.memory_space<vmem>>) semaphore(%run_scoped3A : memref<!tpu.dma_semaphore, #tpu.memory_space<semaphore_mem>>) {add = true}
      %dma_wait3A_37 = arith.constant 0 : i32
      %dma_wait3A_38 = arith.constant 0 : i32
      %dma_wait3A_39 = tpu.memref_slice %arg14[%dma_wait3A_37, %dma_wait3A_38] : memref<10240x128xf32, #tpu.memory_space<vmem_shared>> -> memref<10240x128xf32, #tpu.memory_space<vmem_shared>>
      tpu.wait_indirect_dma semaphore(%run_scoped3A : memref<!tpu.dma_semaphore, #tpu.memory_space<semaphore_mem>>) src(%arg12 : memref<80x128xf32, #tpu.memory_space<vmem>>) dst(%dma_wait3A_39 : memref<10240x128xf32, #tpu.memory_space<vmem_shared>>)
      tpu.yield
    }) : () -> ()
    %barrier3A_23 = arith.constant 0 : index
    tpu.barrier barrier_id(%barrier3A_23)
    %eq3A_24 = arith.constant 0 : i32
    %eq3A_25 = arith.cmpi eq, %arg0, %eq3A_24 : i32
    %convert_element_type3A_26 = arith.extui %eq3A_25 : i1 to i32
    %cond3A_27 = arith.constant 0 : i32
    %cond3A_28 = arith.cmpi ne, %convert_element_type3A_26, %cond3A_27 : i32
    scf.if %cond3A_28 {
      "tpu.region"() ({
        %run_scoped3A = tpu.sem_alloc : memref<!tpu.dma_semaphore, #tpu.memory_space<semaphore_mem>>
        %dma_start3A_34 = arith.constant 0 : i32
        %dma_start3A_35 = tpu.memref_slice %arg6[%mul3A_0, %dma_start3A_34] : memref<10240x128xf32, #tpu.memory_space<hbm>> -> memref<640x128xf32, #tpu.memory_space<hbm>>
        %dma_start3A_36 = arith.constant 0 : i32
        %dma_start3A_37 = tpu.memref_slice %arg14[%mul3A_0, %dma_start3A_36] : memref<10240x128xf32, #tpu.memory_space<vmem_shared>> -> memref<640x128xf32, #tpu.memory_space<vmem_shared>>
        tpu.enqueue_dma source(%dma_start3A_37 : memref<640x128xf32, #tpu.memory_space<vmem_shared>>) target(%dma_start3A_35 : memref<640x128xf32, #tpu.memory_space<hbm>>) target_semaphore(%run_scoped3A : memref<!tpu.dma_semaphore, #tpu.memory_space<semaphore_mem>>)
        %dma_wait3A_38 = arith.constant 0 : i32
        %dma_wait3A_39 = tpu.memref_slice %arg6[%mul3A_0, %dma_wait3A_38] : memref<10240x128xf32, #tpu.memory_space<hbm>> -> memref<640x128xf32, #tpu.memory_space<hbm>>
        %dma_wait3A_40 = arith.constant 0 : i32
        %dma_wait3A_41 = tpu.memref_slice %arg14[%mul3A_0, %dma_wait3A_40] : memref<10240x128xf32, #tpu.memory_space<vmem_shared>> -> memref<640x128xf32, #tpu.memory_space<vmem_shared>>
        tpu.wait_dma2 semaphore(%run_scoped3A : memref<!tpu.dma_semaphore, #tpu.memory_space<semaphore_mem>>) src(%dma_wait3A_41 : memref<640x128xf32, #tpu.memory_space<vmem_shared>>) dst(%dma_wait3A_39 : memref<640x128xf32, #tpu.memory_space<hbm>>)
        tpu.yield
      }) : () -> ()
    } else {
    }
    %ne3A_29 = arith.constant 0 : i32
    %ne3A_30 = arith.cmpi ne, %arg0, %ne3A_29 : i32
    %convert_element_type3A_31 = arith.extui %ne3A_30 : i1 to i32
    %cond3A_32 = arith.constant 0 : i32
    %cond3A_33 = arith.cmpi ne, %convert_element_type3A_31, %cond3A_32 : i32
    scf.if %cond3A_33 {
      "tpu.region"() ({
        %run_scoped3A = tpu.sem_alloc : memref<!tpu.dma_semaphore, #tpu.memory_space<semaphore_mem>>
        %dma_start3A_34 = arith.constant 0 : i32
        %dma_start3A_35 = tpu.memref_slice %arg7[%mul3A_0, %dma_start3A_34] : memref<10240x128xf32, #tpu.memory_space<hbm>> -> memref<640x128xf32, #tpu.memory_space<hbm>>
        %dma_start3A_36 = arith.constant 0 : i32
        %dma_start3A_37 = tpu.memref_slice %arg14[%mul3A_0, %dma_start3A_36] : memref<10240x128xf32, #tpu.memory_space<vmem_shared>> -> memref<640x128xf32, #tpu.memory_space<vmem_shared>>
        tpu.enqueue_dma source(%dma_start3A_37 : memref<640x128xf32, #tpu.memory_space<vmem_shared>>) target(%dma_start3A_35 : memref<640x128xf32, #tpu.memory_space<hbm>>) target_semaphore(%run_scoped3A : memref<!tpu.dma_semaphore, #tpu.memory_space<semaphore_mem>>)
        %dma_wait3A_38 = arith.constant 0 : i32
        %dma_wait3A_39 = tpu.memref_slice %arg7[%mul3A_0, %dma_wait3A_38] : memref<10240x128xf32, #tpu.memory_space<hbm>> -> memref<640x128xf32, #tpu.memory_space<hbm>>
        %dma_wait3A_40 = arith.constant 0 : i32
        %dma_wait3A_41 = tpu.memref_slice %arg14[%mul3A_0, %dma_wait3A_40] : memref<10240x128xf32, #tpu.memory_space<vmem_shared>> -> memref<640x128xf32, #tpu.memory_space<vmem_shared>>
        tpu.wait_dma2 semaphore(%run_scoped3A : memref<!tpu.dma_semaphore, #tpu.memory_space<semaphore_mem>>) src(%dma_wait3A_41 : memref<640x128xf32, #tpu.memory_space<vmem_shared>>) dst(%dma_wait3A_39 : memref<640x128xf32, #tpu.memory_space<hbm>>)
        tpu.yield
      }) : () -> ()
    } else {
    }
    return
  }
}

module attributes {stable_mosaic.version = 14 : i64} {
  func.func @body(%arg0: i32, %arg1: memref<1024x128xf32, #tpu.memory_space<vmem>>, %arg2: memref<128x128xf32, #tpu.memory_space<vmem>>, %arg3: memref<1024x1xf32, #tpu.memory_space<vmem>>, %arg4: memref<1024x1xf32, #tpu.memory_space<vmem>>, %arg5: memref<1024x128xf32, #tpu.memory_space<vmem>>, %arg6: memref<1024x1xf32, #tpu.memory_space<vmem>>) attributes {dimension_semantics = [#tpu.dimension_semantics<arbitrary>], iteration_bounds = array<i64: 10>, scalar_prefetch = 0 : i64, scratch_operands = 0 : i64, tpu.core_type = #tpu.core_type<tc>, window_params = [{transform_indices = @transform_0, window_bounds = array<i64: 1024, 128>}, {pipeline_mode = #tpu.pipeline_mode<synchronous>, transform_indices = @transform_1, window_bounds = array<i64: 128, 128>}, {transform_indices = @transform_2, window_bounds = array<i64: 1024, 1>}, {transform_indices = @transform_3, window_bounds = array<i64: 1024, 1>}, {transform_indices = @transform_4, window_bounds = array<i64: 1024, 128>}, {transform_indices = @transform_5, window_bounds = array<i64: 1024, 1>}]} {
    %get3A = arith.constant 0 : index
    %get3A_0 = arith.constant 0 : index
    %get3A_1 = vector.load %arg3[%get3A, %get3A_0] : memref<1024x1xf32, #tpu.memory_space<vmem>>, vector<1024x1xf32>
    %get3A_2 = arith.constant 0 : index
    %get3A_3 = arith.constant 0 : index
    %get3A_4 = vector.load %arg4[%get3A_2, %get3A_3] : memref<1024x1xf32, #tpu.memory_space<vmem>>, vector<1024x1xf32>
    %add3A = arith.addf %get3A_1, %get3A_4 : vector<1024x1xf32>
    %add3A_5 = arith.constant 1.000000e+00 : f32
    %add3A_6 = vector.broadcast %add3A_5 : f32 to vector<1024x1xf32>
    %add3A_7 = arith.addf %add3A, %add3A_6 : vector<1024x1xf32>
    %rsqrt3A = math.rsqrt %add3A_7 : vector<1024x1xf32>
    %get3A_8 = arith.constant 0 : index
    %get3A_9 = arith.constant 0 : index
    %get3A_10 = vector.load %arg1[%get3A_8, %get3A_9] : memref<1024x128xf32, #tpu.memory_space<vmem>>, vector<1024x128xf32>
    %get3A_11 = arith.constant 0 : index
    %get3A_12 = arith.constant 0 : index
    %get3A_13 = vector.load %arg2[%get3A_11, %get3A_12] : memref<128x128xf32, #tpu.memory_space<vmem>>, vector<128x128xf32>
    %dot_general3A = arith.constant dense<0.000000e+00> : vector<1024x128xf32>
    %dot_general3A_14 = tpu.matmul %get3A_10, %get3A_13, %dot_general3A {dimension_numbers = #tpu.dot_dimension_numbers<[1], [0], [0], [1], [0, 0, 1, 1], [], []>, transpose_lhs_hint = false} : vector<1024x128xf32>, vector<128x128xf32>, vector<1024x128xf32> -> vector<1024x128xf32>
    %mul3A = vector.broadcast %rsqrt3A : vector<1024x1xf32> to vector<1024x128xf32>
    %mul3A_15 = arith.mulf %dot_general3A_14, %mul3A : vector<1024x128xf32>
    %swap3A = arith.constant 0 : index
    %swap3A_16 = arith.constant 0 : index
    %swap3A_17 = vector.load %arg5[%swap3A, %swap3A_16] : memref<1024x128xf32, #tpu.memory_space<vmem>>, vector<1024x128xf32>
    tpu.vector_store %arg5[%swap3A, %swap3A_16], %mul3A_15 {strides = array<i32>} : memref<1024x128xf32, #tpu.memory_space<vmem>>, vector<1024x128xf32>,
    %swap3A_18 = arith.constant 0 : index
    %swap3A_19 = arith.constant 0 : index
    %swap3A_20 = vector.load %arg6[%swap3A_18, %swap3A_19] : memref<1024x1xf32, #tpu.memory_space<vmem>>, vector<1024x1xf32>
    tpu.vector_store %arg6[%swap3A_18, %swap3A_19], %rsqrt3A {strides = array<i32>} : memref<1024x1xf32, #tpu.memory_space<vmem>>, vector<1024x1xf32>,
    return
  }
  func.func @transform_0(%arg0: i32) -> (i32, i32) {
    %c0_i32 = arith.constant 0 : i32
    %c0_i32_0 = arith.constant 0 : i32
    return %arg0, %c0_i32 : i32, i32
  }
  func.func @transform_1(%arg0: i32) -> (i32, i32) {
    %c0_i32 = arith.constant 0 : i32
    %c0_i32_0 = arith.constant 0 : i32
    %c0_i32_1 = arith.constant 0 : i32
    return %c0_i32, %c0_i32_0 : i32, i32
  }
  func.func @transform_2(%arg0: i32) -> (i32, i32) {
    %c0_i32 = arith.constant 0 : i32
    %c0_i32_0 = arith.constant 0 : i32
    return %arg0, %c0_i32 : i32, i32
  }
  func.func @transform_3(%arg0: i32) -> (i32, i32) {
    %c0_i32 = arith.constant 0 : i32
    %c0_i32_0 = arith.constant 0 : i32
    return %arg0, %c0_i32 : i32, i32
  }
  func.func @transform_4(%arg0: i32) -> (i32, i32) {
    %c0_i32 = arith.constant 0 : i32
    %c0_i32_0 = arith.constant 0 : i32
    return %arg0, %c0_i32 : i32, i32
  }
  func.func @transform_5(%arg0: i32) -> (i32, i32) {
    %c0_i32 = arith.constant 0 : i32
    %c0_i32_0 = arith.constant 0 : i32
    return %arg0, %c0_i32 : i32, i32
  }
}

module attributes {stable_mosaic.version = 14 : i64} {
  func.func @body(%arg0: i32, %arg1: memref<1024x128xf32, #tpu.memory_space<vmem>>, %arg2: memref<1024x128xf32, #tpu.memory_space<vmem>>, %arg3: memref<1024x1xf32, #tpu.memory_space<vmem>>, %arg4: memref<1x128xf32, #tpu.memory_space<vmem>>, %arg5: memref<128x1xf32, #tpu.memory_space<vmem>>, %arg6: memref<1x1xf32, #tpu.memory_space<vmem>>, %arg7: memref<1024x1xf32, #tpu.memory_space<vmem>>) attributes {dimension_semantics = [#tpu.dimension_semantics<arbitrary>], iteration_bounds = array<i64: 10>, scalar_prefetch = 0 : i64, scratch_operands = 0 : i64, tpu.core_type = #tpu.core_type<tc>, window_params = [{transform_indices = @transform_0, window_bounds = array<i64: 1024, 128>}, {transform_indices = @transform_1, window_bounds = array<i64: 1024, 128>}, {transform_indices = @transform_2, window_bounds = array<i64: 1024, 1>}, {pipeline_mode = #tpu.pipeline_mode<synchronous>, transform_indices = @transform_3, window_bounds = array<i64: 1, 128>}, {pipeline_mode = #tpu.pipeline_mode<synchronous>, transform_indices = @transform_4, window_bounds = array<i64: 128, 1>}, {pipeline_mode = #tpu.pipeline_mode<synchronous>, transform_indices = @transform_5, window_bounds = array<i64: 1, 1>}, {transform_indices = @transform_6, window_bounds = array<i64: 1024, 1>}]} {
    %get3A = arith.constant 0 : index
    %get3A_0 = arith.constant 0 : index
    %get3A_1 = vector.load %arg1[%get3A, %get3A_0] : memref<1024x128xf32, #tpu.memory_space<vmem>>, vector<1024x128xf32>
    %get3A_2 = arith.constant 0 : index
    %get3A_3 = arith.constant 0 : index
    %get3A_4 = vector.load %arg2[%get3A_2, %get3A_3] : memref<1024x128xf32, #tpu.memory_space<vmem>>, vector<1024x128xf32>
    %add3A = arith.addf %get3A_1, %get3A_4 : vector<1024x128xf32>
    %get3A_5 = arith.constant 0 : index
    %get3A_6 = arith.constant 0 : index
    %get3A_7 = vector.load %arg3[%get3A_5, %get3A_6] : memref<1024x1xf32, #tpu.memory_space<vmem>>, vector<1024x1xf32>
    %mul3A = vector.broadcast %get3A_7 : vector<1024x1xf32> to vector<1024x128xf32>
    %mul3A_8 = arith.mulf %add3A, %mul3A : vector<1024x128xf32>
    %get3A_9 = arith.constant 0 : index
    %get3A_10 = arith.constant 0 : index
    %get3A_11 = vector.load %arg4[%get3A_9, %get3A_10] : memref<1x128xf32, #tpu.memory_space<vmem>>, vector<1x128xf32>
    %add3A_12 = vector.broadcast %get3A_11 : vector<1x128xf32> to vector<1024x128xf32>
    %add3A_13 = arith.addf %mul3A_8, %add3A_12 : vector<1024x128xf32>
    %max3A = arith.constant 0.000000e+00 : f32
    %max3A_14 = vector.broadcast %max3A : f32 to vector<1024x128xf32>
    %max3A_15 = arith.maximumf %add3A_13, %max3A_14 : vector<1024x128xf32>
    %get3A_16 = arith.constant 0 : index
    %get3A_17 = arith.constant 0 : index
    %get3A_18 = vector.load %arg5[%get3A_16, %get3A_17] : memref<128x1xf32, #tpu.memory_space<vmem>>, vector<128x1xf32>
    %dot_general3A = arith.constant dense<0.000000e+00> : vector<1024x1xf32>
    %dot_general3A_19 = tpu.matmul %max3A_15, %get3A_18, %dot_general3A {dimension_numbers = #tpu.dot_dimension_numbers<[1], [0], [0], [1], [0, 0, 1, 1], [], []>, transpose_lhs_hint = false} : vector<1024x128xf32>, vector<128x1xf32>, vector<1024x1xf32> -> vector<1024x1xf32>
    %get3A_20 = arith.constant 0 : index
    %get3A_21 = arith.constant 0 : index
    %get3A_22 = vector.load %arg6[%get3A_20, %get3A_21] : memref<1x1xf32, #tpu.memory_space<vmem>>, vector<1x1xf32>
    %add3A_23 = vector.broadcast %get3A_22 : vector<1x1xf32> to vector<1024x1xf32>
    %add3A_24 = arith.addf %dot_general3A_19, %add3A_23 : vector<1024x1xf32>
    %swap3A = arith.constant 0 : index
    %swap3A_25 = arith.constant 0 : index
    %swap3A_26 = vector.load %arg7[%swap3A, %swap3A_25] : memref<1024x1xf32, #tpu.memory_space<vmem>>, vector<1024x1xf32>
    tpu.vector_store %arg7[%swap3A, %swap3A_25], %add3A_24 {strides = array<i32>} : memref<1024x1xf32, #tpu.memory_space<vmem>>, vector<1024x1xf32>,
    return
  }
  func.func @transform_0(%arg0: i32) -> (i32, i32) {
    %c0_i32 = arith.constant 0 : i32
    %c0_i32_0 = arith.constant 0 : i32
    return %arg0, %c0_i32 : i32, i32
  }
  func.func @transform_1(%arg0: i32) -> (i32, i32) {
    %c0_i32 = arith.constant 0 : i32
    %c0_i32_0 = arith.constant 0 : i32
    return %arg0, %c0_i32 : i32, i32
  }
  func.func @transform_2(%arg0: i32) -> (i32, i32) {
    %c0_i32 = arith.constant 0 : i32
    %c0_i32_0 = arith.constant 0 : i32
    return %arg0, %c0_i32 : i32, i32
  }
  func.func @transform_3(%arg0: i32) -> (i32, i32) {
    %c0_i32 = arith.constant 0 : i32
    %c0_i32_0 = arith.constant 0 : i32
    %c0_i32_1 = arith.constant 0 : i32
    return %c0_i32, %c0_i32_0 : i32, i32
  }
  func.func @transform_4(%arg0: i32) -> (i32, i32) {
    %c0_i32 = arith.constant 0 : i32
    %c0_i32_0 = arith.constant 0 : i32
    %c0_i32_1 = arith.constant 0 : i32
    return %c0_i32, %c0_i32_0 : i32, i32
  }
  func.func @transform_5(%arg0: i32) -> (i32, i32) {
    %c0_i32 = arith.constant 0 : i32
    %c0_i32_0 = arith.constant 0 : i32
    %c0_i32_1 = arith.constant 0 : i32
    return %c0_i32, %c0_i32_0 : i32, i32
  }
  func.func @transform_6(%arg0: i32) -> (i32, i32) {
    %c0_i32 = arith.constant 0 : i32
    %c0_i32_0 = arith.constant 0 : i32
    return %arg0, %c0_i32 : i32, i32
  }
}

module attributes {stable_mosaic.version = 14 : i64} {
  func.func @body(%arg0: i32, %arg1: memref<1024x128xf32, #tpu.memory_space<vmem>>, %arg2: memref<1024x128xf32, #tpu.memory_space<vmem>>, %arg3: memref<1024x1xf32, #tpu.memory_space<vmem>>, %arg4: memref<1x128xf32, #tpu.memory_space<vmem>>, %arg5: memref<128x128xf32, #tpu.memory_space<vmem>>, %arg6: memref<1024x128xf32, #tpu.memory_space<vmem>>) attributes {dimension_semantics = [#tpu.dimension_semantics<arbitrary>], iteration_bounds = array<i64: 10>, scalar_prefetch = 0 : i64, scratch_operands = 0 : i64, tpu.core_type = #tpu.core_type<tc>, window_params = [{transform_indices = @transform_0, window_bounds = array<i64: 1024, 128>}, {transform_indices = @transform_1, window_bounds = array<i64: 1024, 128>}, {transform_indices = @transform_2, window_bounds = array<i64: 1024, 1>}, {pipeline_mode = #tpu.pipeline_mode<synchronous>, transform_indices = @transform_3, window_bounds = array<i64: 1, 128>}, {pipeline_mode = #tpu.pipeline_mode<synchronous>, transform_indices = @transform_4, window_bounds = array<i64: 128, 128>}, {transform_indices = @transform_5, window_bounds = array<i64: 1024, 128>}]} {
    %get3A = arith.constant 0 : index
    %get3A_0 = arith.constant 0 : index
    %get3A_1 = vector.load %arg1[%get3A, %get3A_0] : memref<1024x128xf32, #tpu.memory_space<vmem>>, vector<1024x128xf32>
    %get3A_2 = arith.constant 0 : index
    %get3A_3 = arith.constant 0 : index
    %get3A_4 = vector.load %arg2[%get3A_2, %get3A_3] : memref<1024x128xf32, #tpu.memory_space<vmem>>, vector<1024x128xf32>
    %add3A = arith.addf %get3A_1, %get3A_4 : vector<1024x128xf32>
    %get3A_5 = arith.constant 0 : index
    %get3A_6 = arith.constant 0 : index
    %get3A_7 = vector.load %arg3[%get3A_5, %get3A_6] : memref<1024x1xf32, #tpu.memory_space<vmem>>, vector<1024x1xf32>
    %mul3A = vector.broadcast %get3A_7 : vector<1024x1xf32> to vector<1024x128xf32>
    %mul3A_8 = arith.mulf %add3A, %mul3A : vector<1024x128xf32>
    %get3A_9 = arith.constant 0 : index
    %get3A_10 = arith.constant 0 : index
    %get3A_11 = vector.load %arg4[%get3A_9, %get3A_10] : memref<1x128xf32, #tpu.memory_space<vmem>>, vector<1x128xf32>
    %add3A_12 = vector.broadcast %get3A_11 : vector<1x128xf32> to vector<1024x128xf32>
    %add3A_13 = arith.addf %mul3A_8, %add3A_12 : vector<1024x128xf32>
    %max3A = arith.constant 0.000000e+00 : f32
    %max3A_14 = vector.broadcast %max3A : f32 to vector<1024x128xf32>
    %max3A_15 = arith.maximumf %add3A_13, %max3A_14 : vector<1024x128xf32>
    %get3A_16 = arith.constant 0 : index
    %get3A_17 = arith.constant 0 : index
    %get3A_18 = vector.load %arg5[%get3A_16, %get3A_17] : memref<128x128xf32, #tpu.memory_space<vmem>>, vector<128x128xf32>
    %dot_general3A = arith.constant dense<0.000000e+00> : vector<1024x128xf32>
    %dot_general3A_19 = tpu.matmul %max3A_15, %get3A_18, %dot_general3A {dimension_numbers = #tpu.dot_dimension_numbers<[1], [0], [0], [1], [0, 0, 1, 1], [], []>, transpose_lhs_hint = false} : vector<1024x128xf32>, vector<128x128xf32>, vector<1024x128xf32> -> vector<1024x128xf32>
    %get3A_20 = arith.constant 0 : index
    %get3A_21 = arith.constant 0 : index
    %get3A_22 = vector.load %arg3[%get3A_20, %get3A_21] : memref<1024x1xf32, #tpu.memory_space<vmem>>, vector<1024x1xf32>
    %mul3A_23 = vector.broadcast %get3A_22 : vector<1024x1xf32> to vector<1024x128xf32>
    %mul3A_24 = arith.mulf %dot_general3A_19, %mul3A_23 : vector<1024x128xf32>
    %swap3A = arith.constant 0 : index
    %swap3A_25 = arith.constant 0 : index
    %swap3A_26 = vector.load %arg6[%swap3A, %swap3A_25] : memref<1024x128xf32, #tpu.memory_space<vmem>>, vector<1024x128xf32>
    tpu.vector_store %arg6[%swap3A, %swap3A_25], %mul3A_24 {strides = array<i32>} : memref<1024x128xf32, #tpu.memory_space<vmem>>, vector<1024x128xf32>,
    return
  }
  func.func @transform_0(%arg0: i32) -> (i32, i32) {
    %c0_i32 = arith.constant 0 : i32
    %c0_i32_0 = arith.constant 0 : i32
    return %arg0, %c0_i32 : i32, i32
  }
  func.func @transform_1(%arg0: i32) -> (i32, i32) {
    %c0_i32 = arith.constant 0 : i32
    %c0_i32_0 = arith.constant 0 : i32
    return %arg0, %c0_i32 : i32, i32
  }
  func.func @transform_2(%arg0: i32) -> (i32, i32) {
    %c0_i32 = arith.constant 0 : i32
    %c0_i32_0 = arith.constant 0 : i32
    return %arg0, %c0_i32 : i32, i32
  }
  func.func @transform_3(%arg0: i32) -> (i32, i32) {
    %c0_i32 = arith.constant 0 : i32
    %c0_i32_0 = arith.constant 0 : i32
    %c0_i32_1 = arith.constant 0 : i32
    return %c0_i32, %c0_i32_0 : i32, i32
  }
  func.func @transform_4(%arg0: i32) -> (i32, i32) {
    %c0_i32 = arith.constant 0 : i32
    %c0_i32_0 = arith.constant 0 : i32
    %c0_i32_1 = arith.constant 0 : i32
    return %c0_i32, %c0_i32_0 : i32, i32
  }
  func.func @transform_5(%arg0: i32) -> (i32, i32) {
    %c0_i32 = arith.constant 0 : i32
    %c0_i32_0 = arith.constant 0 : i32
    return %arg0, %c0_i32 : i32, i32
  }
}

</mosaic_0001>

<sc_bundles>
// kernel: kernel.11.cloned.1.call-start
scs
__scs_entry_jumppad:
0x0: {  	(pc) =	sbr.rel $0x88, $3  }
0x1: {  	(tag) =	ssettag $0x0;
	lr =	simm.s32 $0x1  }
0x2: {  	[smem:$0x3F99] =	sst lr;
	_ =	strace $0xD0000000  }
0x3: {  	_ = 	snop  }
0x4: {  	_ = 	snop  }
0x5: {  	_ = 	snop  }
0x6: {  	_ = 	snop  }
0x7: {  	_ = 	snop  }
__scs_overlays_trampoline_lowered:
0x8: {  	[smem:$0x3FA8] =	sst s0  }
0x9: {  	[smem:$0x3FA9] =	sst s1  }
0xa: {  	[smem:$0x3FAA] =	sst s2  }
0xb: {  	[smem:$0x3FAB] =	sst s3  }
0xc: {  	[smem:$0x3FAC] =	sst s4  }
0xd: {  	[smem:$0x3FAD] =	sst s5  }
0xe: {  	[smem:$0x3FAE] =	sst s6  }
0xf: {  	[smem:$0x3FAF] =	sst s7  }
0x10: {  	[smem:$0x3FB0] =	sst s8  }
0x11: {  	[smem:$0x3FB1] =	sst s9;
	s0 =	simm.s32 @!p0 $0x0  }
0x12: {  	s1 =	sld [smem:$0x3F97];
	s0 =	simm.s32 @p0 $0x1  }
0x13: {  	[smem:$0x3FB2] =	sst s0;
	s0 =	simm.s32 @!p1 $0x0  }
0x14: {  	s2 =	sld [smem:$0x3F96];
	s0 =	simm.s32 @p1 $0x1  }
0x15: {  	[smem:$0x3FB3] =	sst s0;
	s0 =	simm.s32 @!p2 $0x0  }
0x16: {  	s3 =	sld [smem:$0x3FDB];
	s0 =	simm.s32 @p2 $0x1  }
0x17: {  	s4 =	simm.s32 $0x1BF5;
	[smem:$0x3FB5] =	sst s0  }
0x18: {  	s0 =	sld [smem:$0x3F98];
	_ =	swait.ge [sflag:s4], $0x0  }
0x19: {  	s7 =	sld [smem:$0x3F99]  }
0x1a: {  	s8 =	sadd.s32 $0xFFFFE003, lr  }
0x1b: {  	s9 =	sadd.s32 $0xFFFFFEF7, lr;
	s5 =	simm.s32 $0xFFFFFFFF;
	p2 =	slt.u32 s8, $0xFFFFF086  }
0x1c: {  	p1 =	slt.u32 s9, $0xF7A;
	s5 =	simm.s32 @!p2 $0x0  }
0x1d: {  	s5 =	simm.s32 @p1 $0x1;
	p0 =	seq.s32 s7, s2  }
0x1e: {  	s7 =	smul.u32 @!p0 $0xF7A, s2;
	p2 =	seq.s32 @!p0 s5, $0x0  }
0x1f: {  	s9 =	smul.u32 $0xF7A, s1;
	s8 =	simm.s32 @!p0 $0x1BF5;
	p2 =	por !p2, p0  }
0x20: {  	[sflag:s8] =	ssyncset.s32 @!p0 $0xFFFFF086;
	s6 =	sadd.s32 @!p0 s3, s7;
	s7 =	simm.s32 @!p0 $0x108  }
0x21: {  	s3 =	sadd.s32 s3, s9;
	s6 =	sadd.s32 @!p0 $0x88, s6;
	s7 =	simm.s32 @p2 $0x1082  }
0x22: {  	[simem:s7], [sflag:s8] =	dma.local @!p0 [hbm:s6], $0xF7A  }
0x23: {  	s9 =	sor.u32 $0xD0000000, s2;
	s6 =	simm.s32 $0x108;
	_ =	swait.ge @!p0 [sflag:s8], $0x0  }
0x24: {  	s3 =	sadd.s32 $0x88, s3;
	s6 =	simm.s32 @!p1 $0x1082;
	[sflag:s4] =	ssyncset.s32 $0xFFFFF086  }
0x25: {  	[simem:s6], [sflag:s4] =	dma.local [hbm:s3], $0xF7A  }
0x26: {  	[smem:$0x3F99] =	sst s1;
	(tag) =	ssettag s2;
	_ =	strace s9  }
0x27: {  	s1 =	sld [smem:$0x3FA9]  }
0x28: {  	s2 =	sld [smem:$0x3FAA]  }
0x29: {  	s4 =	sld [smem:$0x3FAC]  }
0x2a: {  	p0 =	seq.s32 s5, $0x0;
	s5 =	sld [smem:$0x3FAD]  }
0x2b: {  	s6 =	sld [smem:$0x3FAE]  }
0x2c: {  	s7 =	sld [smem:$0x3FAF]  }
0x2d: {  	s3 =	simm.s32 $0x108;
	s8 =	sld [smem:$0x3FB0]  }
0x2e: {  	s3 =	simm.s32 @!p0 $0x1082;
	s9 =	sld [smem:$0x3FB1]  }
0x2f: {  	lr =	sadd.s32 s0, s3;
	s0 =	sld [smem:$0x3FA8]  }
0x30: {  	s3 =	sld [smem:$0x3FAB]  }
0x31: {  	[smem:$0x3FB4] =	sst s10  }
0x32: {  	s10 =	sld [smem:$0x3FB2];
	_ =	sdelay $0x3  }
0x33: {  	p0 =	seq.s32 s10, $0x1;
	s10 =	sld [smem:$0x3FB4];
	_ =	sdelay $0x3  }
0x34: {  	[smem:$0x3FB4] =	sst s10  }
0x35: {  	s10 =	sld [smem:$0x3FB3];
	_ =	sdelay $0x3  }
0x36: {  	p1 =	seq.s32 s10, $0x1;
	s10 =	sld [smem:$0x3FB4];
	_ =	sdelay $0x3  }
0x37: {  	[smem:$0x3FB4] =	sst s10  }
0x38: {  	s10 =	sld [smem:$0x3FB5]  }
0x39: {  	_ = 	snop;
	(pc) =	sbr.ind lr, $3  }
0x3a: {  	_ = 	snop  }
0x3b: {  	_ = 	snop  }
0x3c: {  	p2 =	seq.s32 s10, $0x1;
	s10 =	sld [smem:$0x3FB4]  }
0x3d: {  	_ =	shalt  }
0x3e: {  	_ =	shalt  }
0x3f: {  	_ =	shalt  }
0x40: {  	_ =	shalt  }
0x41: {  	_ =	shalt  }
0x42: {  	_ =	shalt  }
0x43: {  	_ =	shalt  }
0x44: {  	_ =	shalt  }
0x45: {  	_ =	shalt  }
0x46: {  	_ =	shalt  }
0x47: {  	_ =	shalt  }
0x48: {  	_ =	shalt  }
0x49: {  	_ =	shalt  }
0x4a: {  	_ =	shalt  }
0x4b: {  	_ =	shalt  }
0x4c: {  	_ =	shalt  }
0x4d: {  	_ =	shalt  }
0x4e: {  	_ =	shalt  }
0x4f: {  	_ =	shalt  }
0x50: {  	_ =	shalt  }
0x51: {  	_ =	shalt  }
0x52: {  	_ =	shalt  }
0x53: {  	_ =	shalt  }
0x54: {  	_ =	shalt  }
0x55: {  	_ =	shalt  }
0x56: {  	_ =	shalt  }
0x57: {  	_ =	shalt  }
0x58: {  	_ =	shalt  }
0x59: {  	_ =	shalt  }
0x5a: {  	_ =	shalt  }
0x5b: {  	_ =	shalt  }
0x5c: {  	_ =	shalt  }
0x5d: {  	_ =	shalt  }
0x5e: {  	_ =	shalt  }
0x5f: {  	_ =	shalt  }
0x60: {  	_ =	shalt  }
0x61: {  	_ =	shalt  }
0x62: {  	_ =	shalt  }
0x63: {  	_ =	shalt  }
0x64: {  	_ =	shalt  }
0x65: {  	_ =	shalt  }
0x66: {  	_ =	shalt  }
0x67: {  	_ =	shalt  }
0x68: {  	_ =	shalt  }
0x69: {  	_ =	shalt  }
0x6a: {  	_ =	shalt  }
0x6b: {  	_ =	shalt  }
0x6c: {  	_ =	shalt  }
0x6d: {  	_ =	shalt  }
0x6e: {  	_ =	shalt  }
0x6f: {  	_ =	shalt  }
0x70: {  	_ =	shalt  }
0x71: {  	_ =	shalt  }
0x72: {  	_ =	shalt  }
0x73: {  	_ =	shalt  }
0x74: {  	_ =	shalt  }
0x75: {  	_ =	shalt  }
0x76: {  	_ =	shalt  }
0x77: {  	_ =	shalt  }
0x78: {  	_ =	shalt  }
0x79: {  	_ =	shalt  }
0x7a: {  	_ =	shalt  }
0x7b: {  	_ =	shalt  }
0x7c: {  	_ =	shalt  }
0x7d: {  	_ =	shalt  }
0x7e: {  	_ =	shalt  }
0x7f: {  	_ =	shalt  }
0x80: {  	_ =	shalt  }
0x81: {  	_ =	shalt  }
0x82: {  	_ =	shalt  }
0x83: {  	_ =	shalt  }
0x84: {  	_ =	shalt  }
0x85: {  	_ =	shalt  }
0x86: {  	_ =	shalt  }
0x87: {  	_ =	shalt  }
.Lfunc_end0:
.L_simem_size_0:
called_computation.1_lowered:
.L_overlay_start_0:
0x88: {  	s2 =	sld [smem:$0x3FD9]  }
0x89: {  	s3 =	sld [smem:$0x3FFE];
	_ =	sdelay $0x1  }
0x8a: {  	s1 =	srdreg.scid  }
0x8b: {  	s0 =	sand.u32 $0x1, s1  }
0x8c: {  	s16 =	sshll.u32 s0, $0xA;
	s2 =	sadd.s32 s3, s2  }
0x8d: {  	s2 =	sadd.s32 s2, s16  }
0x8e: {  	[smem:$0x3FC0] =	sst s2  }
0x8f: {  	_ = 	snop  }
0x90: {  	(tm) =	ssettm $0x1  }
0x91: {  	s17 =	sld [smem:$0x3FFB];
	_ =	sdelay $0x3  }
0x92: {  	_ =	strace s17  }
0x93: {  	s2 =	sld [smem:$0x3FFC];
	_ =	sdelay $0x3  }
0x94: {  	_ =	strace s2  }
0x95: {  	s2 =	sld [smem:$0x3FFD];
	_ =	sdelay $0x3  }
0x96: {  	_ =	strace s2  }
0x97: {  	_ =	strace $0x8FFFFFFF  }
0x98: {  	s18 =	sld [smem:$0x3FDB];
	_ =	sdelay $0x1  }
0x99: {  	s19 =	simm.s32 $_scs_section_size  }
0x9a: {  	s4 =	simm.s32 $_size__tile_overlayer_lowered;
	s5 =	simm.s32 $_tile_overlayer_lowered  }
0x9b: {  	s22 =	simm.s32 $0x1BFF;
	s21 =	sshll.u32 s5, $0x1;
	s2 =	sadd.s32 s19, s18  }
0x9c: {  	s6 =	simm.s32 $0x0;
	s20 =	sshll.u32 s4, $0x1;
	s4 =	sadd.s32 s21, s2  }
0x9d: {  	[timem:s6], [sflag:s22] =	dma.local [hbm:s4], s20  }
0x9e: {  	_ =	swait.ge [sflag:s22], s20  }
0x9f: {  	s3 =	ssub.s32 $0x0, s20;
	[sflag:s22] =	ssyncset.done $0x0  }
0xa0: {  	[sflag:s22] =	ssyncadd.s32 s3;
	_ =	sdelay $0x1  }
0xa1: {  	s23 =	simm.s32 $0x1B8B  }
0xa2: {  	_ =	swait.ge [sflag:s23], $0x1  }
0xa3: {  	[sflag:s23] =	ssyncset.done $0x0  }
0xa4: {  	s25 =	simm.s32 $0x1B8E;
	s24 =	sld [smem:$0x3FFE];
	[sflag:s23] =	ssyncadd.s32 $0xFFFFFFFF  }
0xa5: {  	s26 =	simm.s32 $execute0_lowered;
	[smem:$0x3FD2] =	sst s25  }
0xa6: {  	s4 =	sshll.u32 s26, $0x1;
	_ =	strace $0x80000049;
	[dreg:$0x1] =	wrdreg $0xFFFFFFFF  }
0xa7: {  	s28 =	simm.s32 $_size_execute0_lowered;
	s2 =	sadd.s32 s2, s4;
	[dreg:$0x0] =	wrdreg $0x0  }
0xa8: {  	s4 =	sshll.u32 s28, $0x1;
	[dreg:$0x2] =	wrdreg s2  }
0xa9: {  	[dreg:$0x3] =	wrdreg s4  }
0xaa: {  	[dreg:$0x4] =	wrdreg $0xC0  }
0xab: {  	_ =	task [dreg:s6], $0x5FFFF  }
0xac: {  	[dreg:$0x1] =	wrdreg $0xFFFFFFFF  }
0xad: {  	[dreg:$0x0] =	wrdreg $0x60  }
0xae: {  	[dreg:$0x2] =	wrdreg s24  }
0xaf: {  	[dreg:$0x3] =	wrdreg $0x52000  }
0xb0: {  	[dreg:$0x4] =	wrdreg $0x9  }
0xb1: {  	_ =	task.clear_ibuf [dreg:s6], $0x5FFFF;
	_ =	strace $0x90000049  }
0xb2: {  	s29 =	simm.s32 $0x9;
	_ =	strace $0x8000004B  }
0xb3: {  	_ =	swait.ge [sflag:s29], $0x1  }
0xb4: {  	[sflag:s29] =	ssyncadd.s32 $0xFFFFFFFF  }
0xb5: {  	_ =	strace $0x9000004B  }
0xb6: {  	_ =	sfence  }
0xb7: {  	s30 =	sld [smem:$0x0];
	_ =	sdelay $0x2  }
0xb8: {  	s31 =	sshll.u32 s1, $0xD;
	s1 =	sshrl.u32 s1, $0x2  }
0xb9: {  	s3 =	sand.u32 $0x4000, s31;
	s1 =	sadd.s32 s1, s30  }
0xba: {  	s0 =	sor.u32 s3, s0;
	s1 =	sshll.u32 s1, $0x11  }
0xbb: {  	s0 =	sor.u32 s1, s0  }
0xbc: {  	s0 =	sadd.s32 $0x8F2B, s0  }
0xbd: {  	[sflag:s0] =	ssyncadd.remote.s32 $0x1  }
0xbe: {  	_ =	sfence.sel $0xFFFF  }
0xbf: {  	[dreg:$0x0] =	wrdreg $0xFFFFFFFF;
	(pc) =	sbr.abs _section_cstart, $3  }
0xc0: {  	[dreg:$0x1] =	wrdreg $0xFFFFFFFF  }
0xc1: {  	_ =	task.clear_ibuf [dreg:s6], $0x2FFFF;
	_ =	strace $0x9FFFFFFF  }
0xc2: {  	(tm) =	ssettm $0x7FFFFFFF  }
0xc3: {  	_ =	shalt  }
tec
execute0_lowered:
.L_overlay_start_1:
0x0: {  	(tag) =	ssettag $0x1  }
0x1: {  	s10 =	rddreg [dreg:$0x0]  }
0x2: {  	s1 =	rddreg [dreg:$0x1];
	s2 =	srdreg.scid;
	s3 =	simm.s32 $0x0  }
0x3: {  	s0 =	stileid.u32;
	s18 =	simm.s32 $0x41200;
	s19 =	simm.s32 $0x50  }
0x4: {  	s20 =	simm.s32 $0x200;
	s21 =	simm.s32 $0x80;
	s22 =	simm.s32 $0x180  }
0x5: {  	s23 =	simm.s32 $0x2A00;
	s24 =	simm.s32 $0x1;
	s9 =	smul.u32 $0x50000, s0  }
0x6: {  	s14 =	sand.u32 $0x1, s2;
	[smem:$0x7FF] =	sst s3;
	s12 =	smul.u32 $0x2800, s0  }
0x7: {  	s5 =	sadd.s32 $0x2E00, s10;
	s15 =	sadd.s32 $0x3EA00, s10;
	s13 =	smul.u32 $0x2710, s0  }
0x8: {  	s31 =	sshll.u32 s0, $0x6;
	s4 =	sshll.u32 s14, $0x4;
	_ =	strace $0x8000004A  }
0x9: {  	s7 =	ssub.s32 $0x2, s14;
	s26 =	smul.u32 $0x27100, s14;
	p0 =	seq.s32 s14, $0x0  }
0xa: {  	s6 =	sor.u32 s0, s4;
	s4 =	sadd.s32 $0x16A00, s10;
	s11 =	sshrl.u32 s7, $0x1  }
0xb: {  	s25 =	sshrl.u32 s9, $0x2;
	s18 =	simm.s32 @!p0 $0x69200;
	p0 =	sne.s32 s14, $0x0  }
0xc: {  	s8 =	smul.u32 $0x2710, s6;
	s6 =	sadd.s32 $0xCC00, s10;
	s11 =	ssub.s32 s7, s11  }
0xd: {  	s16 =	sadd.s32 s25, s1;
	s7 =	sadd.s32 s4, s12;
	s13 =	sadd.s32 s13, s26  }
0xe: {  	s28 =	sadd.s32 s18, s10;
	s18 =	simm.s32 $0x100;
	s25 =	simm.s32 $0x2  }
0xf: {  	s26 =	simm.s32 $0x0;
	s29 =	sadd.s32 $0x50, s13;
	s10 =	smax.u32 s11, $0x1  }
0x10: {  	s11 =	sadd.s32 s28, s12;
	s12 =	sadd.s32 $0xA0, s13;
	s7 =	smov.u32 @p0 s15  }
0x11: {  	s15 =	sor.u32 $0x1C03, s31;
	s16 =	sshrl.u32 s16, $0x3;
	s17 =	sshrl.u32 s8, $0x3  }
0x12: {  	s30 =	sshrl.u32 s29, $0x3;
	s8 =	sadd.s32 s5, s17;
	s9 =	sadd.s32 s6, s17  }
0x13: {  	s13 =	sadd.s32 s30, s6;
	s14 =	sadd.s32 s30, s5;
	s17 =	simm.s32 $0x3  }
.LBB2_1:
0x14: {  	[spmem:s16], [sflag:s15] =	dma.local [hbm:s7], $0x2800  }
0x15: {  	_ =	swait.ge [sflag:s17], $0x2800  }
0x16: {  	[sflag:s17] =	ssyncset.done $0x0  }
0x17: {  	[sflag:s17] =	ssyncadd.s32 $0xFFFFD800  }
0x18: {  	[bflag:$0x0] =	sbarrier.arrive $0xFFFF  }
0x19: {  	[tilespmem:s3], [sflag:$0x3] =	stream.linear.gather [hbm4b:s8+s3], $0x50, $0x38;
	[tilespmem:$0x19200] =	vst v63  }
0x1a: {  	_ =	swait.ge [sflag:s17], $0x50  }
0x1b: {  	[sflag:s17] =	ssyncset.done $0x0  }
0x1c: {  	[sflag:s17] =	ssyncadd.s32 $0xFFFFFFB0  }
0x1d: {  	[tilespmem:s18], [sflag:$0x3] =	stream.linear.gather [hbm4b:s9+s3], $0x50, $0x38;
	[tilespmem:$0x19200] =	vst v63  }
0x1e: {  	_ =	swait.ge [sflag:s17], $0x50  }
0x1f: {  	[sflag:s17] =	ssyncset.done $0x0  }
0x20: {  	[sflag:s17] =	ssyncadd.s32 $0xFFFFFFB0  }
0x21: {  	[tilespmem:s20], [sflag:$0x1] =	stream.indirect.gather [hbm4b:s4+s19], $0x80, s3, s19, $0xb8;
	[tilespmem:$0x19200] =	vst v63  }
0x22: {  	s28 =	sadd.s32 $0x0, s14  }
0x23: {  	[tilespmem:s21], [sflag:$0x3] =	stream.linear.gather [hbm4b:s28+s3], $0x50, $0x38;
	[tilespmem:$0x19200] =	vst v63  }
0x24: {  	_ =	swait.ge [sflag:s17], $0x50  }
0x25: {  	[sflag:s17] =	ssyncset.done $0x0  }
0x26: {  	s28 =	sadd.s32 $0x0, s13;
	[sflag:s17] =	ssyncadd.s32 $0xFFFFFFB0  }
0x27: {  	[tilespmem:s22], [sflag:$0x3] =	stream.linear.gather [hbm4b:s28+s3], $0x50, $0x38;
	[tilespmem:$0x19200] =	vst v63  }
0x28: {  	_ =	swait.ge [sflag:s17], $0x50  }
0x29: {  	[sflag:s17] =	ssyncset.done $0x0  }
0x2a: {  	[sflag:s17] =	ssyncadd.s32 $0xFFFFFFB0  }
0x2b: {  	[tilespmem:s23], [sflag:$0x2] =	stream.indirect.gather [hbm4b:s4+s19], $0x80, s21, s19, $0xb8;
	[tilespmem:$0x19200] =	vst v63  }
0x2c: {  	_ =	swait.ge [sflag:s24], $0x2800  }
0x2d: {  	[sflag:s24] =	ssyncset.done $0x0  }
0x2e: {  	[sflag:s24] =	ssyncadd.s32 $0xFFFFD800  }
0x2f: {  	[spmem:s1] =	stream.indirect.scatter.add.f32 [tilespmem:s20], [sflag:$0x3], $0x80, s18, s19, $0xb8;
	[tilespmem:$0x19200] =	vst v63  }
0x30: {  	_ =	swait.ge [sflag:s17], $0x2800  }
0x31: {  	s28 =	sshrl.u32 s12, $0x3;
	[sflag:s17] =	ssyncset.done $0x0  }
0x32: {  	s29 =	sadd.s32 s5, s28;
	[sflag:s17] =	ssyncadd.s32 $0xFFFFD800  }
0x33: {  	[tilespmem:s3], [sflag:$0x3] =	stream.linear.gather [hbm4b:s29+s3], $0x50, $0x38;
	[tilespmem:$0x19200] =	vst v63  }
0x34: {  	_ =	swait.ge [sflag:s17], $0x50  }
0x35: {  	[sflag:s17] =	ssyncset.done $0x0  }
0x36: {  	s28 =	sadd.s32 s6, s28;
	[sflag:s17] =	ssyncadd.s32 $0xFFFFFFB0  }
0x37: {  	[tilespmem:s18], [sflag:$0x3] =	stream.linear.gather [hbm4b:s28+s3], $0x50, $0x38;
	[tilespmem:$0x19200] =	vst v63  }
0x38: {  	_ =	swait.ge [sflag:s17], $0x50  }
0x39: {  	[sflag:s17] =	ssyncset.done $0x0  }
0x3a: {  	[sflag:s17] =	ssyncadd.s32 $0xFFFFFFB0  }
0x3b: {  	[tilespmem:s20], [sflag:$0x1] =	stream.indirect.gather [hbm4b:s4+s19], $0x80, s3, s19, $0xb8;
	[tilespmem:$0x19200] =	vst v63  }
0x3c: {  	_ =	swait.ge [sflag:s25], $0x2800  }
0x3d: {  	[sflag:s25] =	ssyncset.done $0x0  }
0x3e: {  	[sflag:s25] =	ssyncadd.s32 $0xFFFFD800  }
0x3f: {  	[spmem:s1] =	stream.indirect.scatter.add.f32 [tilespmem:s23], [sflag:$0x3], $0x80, s22, s19, $0xb8;
	[tilespmem:$0x19200] =	vst v63  }
0x40: {  	s31 =	simm.s32 $0x28;
	_ =	swait.ge [sflag:s17], $0x2800  }
0x41: {  	s29 =	simm.s32 $0x14;
	s28 =	sadd.s32 $0xA0, s12;
	[sflag:s17] =	ssyncset.done $0x0  }
.LBB2_2:
0x42: {  	s0 =	sadd.s32 s29, s14  }
0x43: {  	[sflag:s17] =	ssyncadd.s32 $0xFFFFD800;
	s2 =	smov.u32 s31;
	s30 =	sadd.s32 $0x14, s31  }
0x44: {  	[tilespmem:s21], [sflag:$0x3] =	stream.linear.gather [hbm4b:s0+s3], $0x50, $0x38;
	[tilespmem:$0x19200] =	vst v63  }
0x45: {  	p0 =	sne.s32 s31, $0x4C4;
	_ =	swait.ge [sflag:s17], $0x50  }
0x46: {  	[sflag:s17] =	ssyncset.done $0x0  }
0x47: {  	s0 =	sadd.s32 s29, s13;
	s29 =	smov.u32 s2;
	[sflag:s17] =	ssyncadd.s32 $0xFFFFFFB0  }
0x48: {  	[tilespmem:s22], [sflag:$0x3] =	stream.linear.gather [hbm4b:s0+s3], $0x50, $0x38;
	[tilespmem:$0x19200] =	vst v63  }
0x49: {  	_ =	swait.ge [sflag:s17], $0x50  }
0x4a: {  	[sflag:s17] =	ssyncset.done $0x0  }
0x4b: {  	[sflag:s17] =	ssyncadd.s32 $0xFFFFFFB0  }
0x4c: {  	[tilespmem:s23], [sflag:$0x2] =	stream.indirect.gather [hbm4b:s4+s19], $0x80, s21, s19, $0xb8;
	[tilespmem:$0x19200] =	vst v63  }
0x4d: {  	_ =	swait.ge [sflag:s24], $0x2800  }
0x4e: {  	[sflag:s24] =	ssyncset.done $0x0  }
0x4f: {  	[sflag:s24] =	ssyncadd.s32 $0xFFFFD800  }
0x50: {  	[spmem:s1] =	stream.indirect.scatter.add.f32 [tilespmem:s20], [sflag:$0x3], $0x80, s18, s19, $0xb8;
	[tilespmem:$0x19200] =	vst v63  }
0x51: {  	_ =	swait.ge [sflag:s17], $0x2800  }
0x52: {  	s0 =	sshrl.u32 s28, $0x3;
	[sflag:s17] =	ssyncset.done $0x0  }
0x53: {  	s2 =	sadd.s32 s5, s0;
	[sflag:s17] =	ssyncadd.s32 $0xFFFFD800  }
0x54: {  	[tilespmem:s3], [sflag:$0x3] =	stream.linear.gather [hbm4b:s2+s3], $0x50, $0x38;
	[tilespmem:$0x19200] =	vst v63  }
0x55: {  	_ =	swait.ge [sflag:s17], $0x50  }
0x56: {  	[sflag:s17] =	ssyncset.done $0x0  }
0x57: {  	s0 =	sadd.s32 s6, s0;
	[sflag:s17] =	ssyncadd.s32 $0xFFFFFFB0  }
0x58: {  	[tilespmem:s18], [sflag:$0x3] =	stream.linear.gather [hbm4b:s0+s3], $0x50, $0x38;
	[tilespmem:$0x19200] =	vst v63  }
0x59: {  	_ =	swait.ge [sflag:s17], $0x50  }
0x5a: {  	[sflag:s17] =	ssyncset.done $0x0  }
0x5b: {  	[sflag:s17] =	ssyncadd.s32 $0xFFFFFFB0  }
0x5c: {  	[tilespmem:s20], [sflag:$0x1] =	stream.indirect.gather [hbm4b:s4+s19], $0x80, s3, s19, $0xb8;
	[tilespmem:$0x19200] =	vst v63  }
0x5d: {  	_ =	swait.ge [sflag:s25], $0x2800  }
.Ltmp0:
0x5e: {  	[sflag:s25] =	ssyncset.done $0x0;
	(pc) =	sbr.rel @p0 .LBB2_2-.Ltmp0, $4  }
0x5f: {  	[sflag:s25] =	ssyncadd.s32 $0xFFFFD800  }
0x60: {  	[spmem:s1] =	stream.indirect.scatter.add.f32 [tilespmem:s23], [sflag:$0x3], $0x80, s22, s19, $0xb8;
	[tilespmem:$0x19200] =	vst v63  }
0x61: {  	_ =	swait.ge [sflag:s17], $0x2800  }
0x62: {  	s31 =	smov.u32 s30;
	s28 =	sadd.s32 $0xA0, s28;
	[sflag:s17] =	ssyncset.done $0x0  }
0x63: {  	s0 =	sadd.s32 s29, s14;
	[sflag:s17] =	ssyncadd.s32 $0xFFFFD800  }
0x64: {  	[tilespmem:s21], [sflag:$0x3] =	stream.linear.gather [hbm4b:s0+s3], $0x50, $0x38;
	[tilespmem:$0x19200] =	vst v63  }
0x65: {  	_ =	swait.ge [sflag:s17], $0x50  }
0x66: {  	[sflag:s17] =	ssyncset.done $0x0  }
0x67: {  	s30 =	sadd.s32 s29, s13;
	[sflag:s17] =	ssyncadd.s32 $0xFFFFFFB0  }
0x68: {  	[tilespmem:s22], [sflag:$0x3] =	stream.linear.gather [hbm4b:s30+s3], $0x50, $0x38;
	[tilespmem:$0x19200] =	vst v63  }
0x69: {  	_ =	swait.ge [sflag:s17], $0x50  }
0x6a: {  	[sflag:s17] =	ssyncset.done $0x0  }
0x6b: {  	[sflag:s17] =	ssyncadd.s32 $0xFFFFFFB0  }
0x6c: {  	[tilespmem:s23], [sflag:$0x2] =	stream.indirect.gather [hbm4b:s4+s19], $0x80, s21, s19, $0xb8;
	[tilespmem:$0x19200] =	vst v63  }
0x6d: {  	_ =	swait.ge [sflag:s24], $0x2800  }
0x6e: {  	[sflag:s24] =	ssyncset.done $0x0  }
0x6f: {  	[sflag:s24] =	ssyncadd.s32 $0xFFFFD800  }
0x70: {  	[spmem:s1] =	stream.indirect.scatter.add.f32 [tilespmem:s20], [sflag:$0x3], $0x80, s18, s19, $0xb8;
	[tilespmem:$0x19200] =	vst v63  }
0x71: {  	_ =	swait.ge [sflag:s17], $0x2800  }
0x72: {  	s31 =	sshrl.u32 s28, $0x3;
	[sflag:s17] =	ssyncset.done $0x0  }
0x73: {  	s2 =	sadd.s32 s5, s31;
	[sflag:s17] =	ssyncadd.s32 $0xFFFFD800  }
0x74: {  	[tilespmem:s3], [sflag:$0x3] =	stream.linear.gather [hbm4b:s2+s3], $0x50, $0x38;
	[tilespmem:$0x19200] =	vst v63  }
0x75: {  	_ =	swait.ge [sflag:s17], $0x50  }
0x76: {  	[sflag:s17] =	ssyncset.done $0x0  }
0x77: {  	s0 =	sadd.s32 s6, s31;
	[sflag:s17] =	ssyncadd.s32 $0xFFFFFFB0  }
0x78: {  	[tilespmem:s18], [sflag:$0x3] =	stream.linear.gather [hbm4b:s0+s3], $0x50, $0x38;
	[tilespmem:$0x19200] =	vst v63  }
0x79: {  	_ =	swait.ge [sflag:s17], $0x50  }
0x7a: {  	[sflag:s17] =	ssyncset.done $0x0  }
0x7b: {  	[sflag:s17] =	ssyncadd.s32 $0xFFFFFFB0  }
0x7c: {  	[tilespmem:s20], [sflag:$0x1] =	stream.indirect.gather [hbm4b:s4+s19], $0x80, s3, s19, $0xb8;
	[tilespmem:$0x19200] =	vst v63  }
0x7d: {  	_ =	swait.ge [sflag:s25], $0x2800  }
0x7e: {  	[sflag:s25] =	ssyncset.done $0x0  }
0x7f: {  	[sflag:s25] =	ssyncadd.s32 $0xFFFFD800  }
0x80: {  	[spmem:s1] =	stream.indirect.scatter.add.f32 [tilespmem:s23], [sflag:$0x3], $0x80, s22, s19, $0xb8;
	[tilespmem:$0x19200] =	vst v63  }
0x81: {  	_ =	swait.ge [sflag:s17], $0x2800  }
0x82: {  	[sflag:s17] =	ssyncset.done $0x0  }
0x83: {  	[sflag:s17] =	ssyncadd.s32 $0xFFFFD800  }
0x84: {  	_ =	swait.ge [sflag:s24], $0x2800  }
0x85: {  	[sflag:s24] =	ssyncset.done $0x0  }
0x86: {  	[sflag:s24] =	ssyncadd.s32 $0xFFFFD800  }
0x87: {  	[spmem:s1] =	stream.indirect.scatter.add.f32 [tilespmem:s20], [sflag:$0x3], $0x80, s18, s19, $0xb8;
	[tilespmem:$0x19200] =	vst v63  }
0x88: {  	_ =	swait.ge [sflag:s17], $0x2800  }
0x89: {  	s26 =	sadd.s32 $0x1, s26;
	[sflag:s17] =	ssyncset.done $0x0  }
0x8a: {  	p0 =	sne.s32 s26, s10;
	[sflag:s17] =	ssyncadd.s32 $0xFFFFD800  }
.Ltmp1:
0x8b: {  	[bflag:$0x0] =	sbarrier.arrive $0xFFFF;
	(pc) =	sbr.rel @p0 .LBB2_1-.Ltmp1, $4  }
0x8c: {  	[hbm:s11], [sflag:s15] =	dma.local [spmem:s16], $0x2800  }
0x8d: {  	_ =	swait.ge [sflag:s17], $0x2800  }
0x8e: {  	[sflag:s17] =	ssyncset.done $0x0  }
0x8f: {  	[sflag:s17] =	ssyncadd.s32 $0xFFFFD800  }
0x90: {  	_ =	sfence.sel $0x180000  }
0x91: {  	[bflag:$0x0] =	sbarrier.arrive $0xFFFF  }
0x92: {  	_ =	strace $0x9000004A  }
0x93: {  	s0 =	stileid.u32;
	[bflag:$0x2] =	sbarrier.arrive $0xFFFF  }
0x94: {  	p0 =	sne.s32 s0, $0x0;
	s0 =	rddreg [dreg:$0x2]  }
0x95: {  	s0 =	sadd.s32 @!p0 $0x100000, s0  }
0x96: {  	[sflag:s0] =	ssyncadd.tile.s32 @!p0 $0x1;
	_ =	shalt  }
.Lfunc_end2:
_tile_overlayer_lowered:
.L_overlay_start_2:
0x97: {  	(tag) =	ssettag $0x2  }
0x98: {  	s0 =	rddreg [dreg:$0x0];
	s2 =	stileid.u32  }
0x99: {  	s1 =	rddreg [dreg:$0x1];
	p0 =	sne.s32 s2, $0x0  }
0x9a: {  	s3 =	rddreg [dreg:$0x2];
	[bflag:$0x3] =	sbarrier.arrive $0xFFFF;
	s2 =	simm.s32 @!p0 $0x1C03  }
0x9b: {  	[timem:s3], [sflag:s2] =	dma.local @!p0 [hbm:s0], s1  }
0x9c: {  	s0 =	simm.s32 @!p0 $0x3  }
0x9d: {  	_ =	swait.ge @!p0 [sflag:s0], s1  }
0x9e: {  	s1 =	ssub.s32 @!p0 $0x0, s1;
	[sflag:s0] =	ssyncset.done @!p0 $0x0  }
0x9f: {  	[sflag:s0] =	ssyncadd.s32 @!p0 s1  }
0xa0: {  	[bflag:$0x3] =	sbarrier.arrive $0xFFFF  }
0xa1: {  	_ =	shalt  }

// kernel: kernel.14.cloned.1.call-start
scs
__scs_entry_jumppad:
0x0: {  	(pc) =	sbr.rel $0x88, $3  }
0x1: {  	(tag) =	ssettag $0x0;
	lr =	simm.s32 $0x1  }
0x2: {  	[smem:$0x3F99] =	sst lr;
	_ =	strace $0xD0000000  }
0x3: {  	_ = 	snop  }
0x4: {  	_ = 	snop  }
0x5: {  	_ = 	snop  }
0x6: {  	_ = 	snop  }
0x7: {  	_ = 	snop  }
__scs_overlays_trampoline_lowered:
0x8: {  	[smem:$0x3FA8] =	sst s0  }
0x9: {  	[smem:$0x3FA9] =	sst s1  }
0xa: {  	[smem:$0x3FAA] =	sst s2  }
0xb: {  	[smem:$0x3FAB] =	sst s3  }
0xc: {  	[smem:$0x3FAC] =	sst s4  }
0xd: {  	[smem:$0x3FAD] =	sst s5  }
0xe: {  	[smem:$0x3FAE] =	sst s6  }
0xf: {  	[smem:$0x3FAF] =	sst s7  }
0x10: {  	[smem:$0x3FB0] =	sst s8  }
0x11: {  	[smem:$0x3FB1] =	sst s9;
	s0 =	simm.s32 @!p0 $0x0  }
0x12: {  	s1 =	sld [smem:$0x3F97];
	s0 =	simm.s32 @p0 $0x1  }
0x13: {  	[smem:$0x3FB2] =	sst s0;
	s0 =	simm.s32 @!p1 $0x0  }
0x14: {  	s2 =	sld [smem:$0x3F96];
	s0 =	simm.s32 @p1 $0x1  }
0x15: {  	[smem:$0x3FB3] =	sst s0;
	s0 =	simm.s32 @!p2 $0x0  }
0x16: {  	s3 =	sld [smem:$0x3FDB];
	s0 =	simm.s32 @p2 $0x1  }
0x17: {  	s4 =	simm.s32 $0x1BF5;
	[smem:$0x3FB5] =	sst s0  }
0x18: {  	s0 =	sld [smem:$0x3F98];
	_ =	swait.ge [sflag:s4], $0x0  }
0x19: {  	s7 =	sld [smem:$0x3F99]  }
0x1a: {  	s8 =	sadd.s32 $0xFFFFE003, lr  }
0x1b: {  	s9 =	sadd.s32 $0xFFFFFEF7, lr;
	s5 =	simm.s32 $0xFFFFFFFF;
	p2 =	slt.u32 s8, $0xFFFFF086  }
0x1c: {  	p1 =	slt.u32 s9, $0xF7A;
	s5 =	simm.s32 @!p2 $0x0  }
0x1d: {  	s5 =	simm.s32 @p1 $0x1;
	p0 =	seq.s32 s7, s2  }
0x1e: {  	s7 =	smul.u32 @!p0 $0xF7A, s2;
	p2 =	seq.s32 @!p0 s5, $0x0  }
0x1f: {  	s9 =	smul.u32 $0xF7A, s1;
	s8 =	simm.s32 @!p0 $0x1BF5;
	p2 =	por !p2, p0  }
0x20: {  	[sflag:s8] =	ssyncset.s32 @!p0 $0xFFFFF086;
	s6 =	sadd.s32 @!p0 s3, s7;
	s7 =	simm.s32 @!p0 $0x108  }
0x21: {  	s3 =	sadd.s32 s3, s9;
	s6 =	sadd.s32 @!p0 $0x88, s6;
	s7 =	simm.s32 @p2 $0x1082  }
0x22: {  	[simem:s7], [sflag:s8] =	dma.local @!p0 [hbm:s6], $0xF7A  }
0x23: {  	s9 =	sor.u32 $0xD0000000, s2;
	s6 =	simm.s32 $0x108;
	_ =	swait.ge @!p0 [sflag:s8], $0x0  }
0x24: {  	s3 =	sadd.s32 $0x88, s3;
	s6 =	simm.s32 @!p1 $0x1082;
	[sflag:s4] =	ssyncset.s32 $0xFFFFF086  }
0x25: {  	[simem:s6], [sflag:s4] =	dma.local [hbm:s3], $0xF7A  }
0x26: {  	[smem:$0x3F99] =	sst s1;
	(tag) =	ssettag s2;
	_ =	strace s9  }
0x27: {  	s1 =	sld [smem:$0x3FA9]  }
0x28: {  	s2 =	sld [smem:$0x3FAA]  }
0x29: {  	s4 =	sld [smem:$0x3FAC]  }
0x2a: {  	p0 =	seq.s32 s5, $0x0;
	s5 =	sld [smem:$0x3FAD]  }
0x2b: {  	s6 =	sld [smem:$0x3FAE]  }
0x2c: {  	s7 =	sld [smem:$0x3FAF]  }
0x2d: {  	s3 =	simm.s32 $0x108;
	s8 =	sld [smem:$0x3FB0]  }
0x2e: {  	s3 =	simm.s32 @!p0 $0x1082;
	s9 =	sld [smem:$0x3FB1]  }
0x2f: {  	lr =	sadd.s32 s0, s3;
	s0 =	sld [smem:$0x3FA8]  }
0x30: {  	s3 =	sld [smem:$0x3FAB]  }
0x31: {  	[smem:$0x3FB4] =	sst s10  }
0x32: {  	s10 =	sld [smem:$0x3FB2];
	_ =	sdelay $0x3  }
0x33: {  	p0 =	seq.s32 s10, $0x1;
	s10 =	sld [smem:$0x3FB4];
	_ =	sdelay $0x3  }
0x34: {  	[smem:$0x3FB4] =	sst s10  }
0x35: {  	s10 =	sld [smem:$0x3FB3];
	_ =	sdelay $0x3  }
0x36: {  	p1 =	seq.s32 s10, $0x1;
	s10 =	sld [smem:$0x3FB4];
	_ =	sdelay $0x3  }
0x37: {  	[smem:$0x3FB4] =	sst s10  }
0x38: {  	s10 =	sld [smem:$0x3FB5]  }
0x39: {  	_ = 	snop;
	(pc) =	sbr.ind lr, $3  }
0x3a: {  	_ = 	snop  }
0x3b: {  	_ = 	snop  }
0x3c: {  	p2 =	seq.s32 s10, $0x1;
	s10 =	sld [smem:$0x3FB4]  }
0x3d: {  	_ =	shalt  }
0x3e: {  	_ =	shalt  }
0x3f: {  	_ =	shalt  }
0x40: {  	_ =	shalt  }
0x41: {  	_ =	shalt  }
0x42: {  	_ =	shalt  }
0x43: {  	_ =	shalt  }
0x44: {  	_ =	shalt  }
0x45: {  	_ =	shalt  }
0x46: {  	_ =	shalt  }
0x47: {  	_ =	shalt  }
0x48: {  	_ =	shalt  }
0x49: {  	_ =	shalt  }
0x4a: {  	_ =	shalt  }
0x4b: {  	_ =	shalt  }
0x4c: {  	_ =	shalt  }
0x4d: {  	_ =	shalt  }
0x4e: {  	_ =	shalt  }
0x4f: {  	_ =	shalt  }
0x50: {  	_ =	shalt  }
0x51: {  	_ =	shalt  }
0x52: {  	_ =	shalt  }
0x53: {  	_ =	shalt  }
0x54: {  	_ =	shalt  }
0x55: {  	_ =	shalt  }
0x56: {  	_ =	shalt  }
0x57: {  	_ =	shalt  }
0x58: {  	_ =	shalt  }
0x59: {  	_ =	shalt  }
0x5a: {  	_ =	shalt  }
0x5b: {  	_ =	shalt  }
0x5c: {  	_ =	shalt  }
0x5d: {  	_ =	shalt  }
0x5e: {  	_ =	shalt  }
0x5f: {  	_ =	shalt  }
0x60: {  	_ =	shalt  }
0x61: {  	_ =	shalt  }
0x62: {  	_ =	shalt  }
0x63: {  	_ =	shalt  }
0x64: {  	_ =	shalt  }
0x65: {  	_ =	shalt  }
0x66: {  	_ =	shalt  }
0x67: {  	_ =	shalt  }
0x68: {  	_ =	shalt  }
0x69: {  	_ =	shalt  }
0x6a: {  	_ =	shalt  }
0x6b: {  	_ =	shalt  }
0x6c: {  	_ =	shalt  }
0x6d: {  	_ =	shalt  }
0x6e: {  	_ =	shalt  }
0x6f: {  	_ =	shalt  }
0x70: {  	_ =	shalt  }
0x71: {  	_ =	shalt  }
0x72: {  	_ =	shalt  }
0x73: {  	_ =	shalt  }
0x74: {  	_ =	shalt  }
0x75: {  	_ =	shalt  }
0x76: {  	_ =	shalt  }
0x77: {  	_ =	shalt  }
0x78: {  	_ =	shalt  }
0x79: {  	_ =	shalt  }
0x7a: {  	_ =	shalt  }
0x7b: {  	_ =	shalt  }
0x7c: {  	_ =	shalt  }
0x7d: {  	_ =	shalt  }
0x7e: {  	_ =	shalt  }
0x7f: {  	_ =	shalt  }
0x80: {  	_ =	shalt  }
0x81: {  	_ =	shalt  }
0x82: {  	_ =	shalt  }
0x83: {  	_ =	shalt  }
0x84: {  	_ =	shalt  }
0x85: {  	_ =	shalt  }
0x86: {  	_ =	shalt  }
0x87: {  	_ =	shalt  }
.Lfunc_end0:
.L_simem_size_0:
called_computation.2_lowered:
.L_overlay_start_0:
0x88: {  	s2 =	sld [smem:$0x3FD9]  }
0x89: {  	s3 =	sld [smem:$0x3FFE];
	_ =	sdelay $0x1  }
0x8a: {  	s1 =	srdreg.scid  }
0x8b: {  	s0 =	sand.u32 $0x1, s1  }
0x8c: {  	s16 =	sshll.u32 s0, $0xA;
	s2 =	sadd.s32 s3, s2  }
0x8d: {  	s2 =	sadd.s32 s2, s16  }
0x8e: {  	[smem:$0x3FC0] =	sst s2  }
0x8f: {  	_ = 	snop  }
0x90: {  	(tm) =	ssettm $0x1  }
0x91: {  	s17 =	sld [smem:$0x3FFB];
	_ =	sdelay $0x3  }
0x92: {  	_ =	strace s17  }
0x93: {  	s2 =	sld [smem:$0x3FFC];
	_ =	sdelay $0x3  }
0x94: {  	_ =	strace s2  }
0x95: {  	s2 =	sld [smem:$0x3FFD];
	_ =	sdelay $0x3  }
0x96: {  	_ =	strace s2  }
0x97: {  	_ =	strace $0x8FFFFFFF  }
0x98: {  	s18 =	sld [smem:$0x3FDB];
	_ =	sdelay $0x1  }
0x99: {  	s19 =	simm.s32 $_scs_section_size  }
0x9a: {  	s4 =	simm.s32 $_size__tile_overlayer_lowered;
	s5 =	simm.s32 $_tile_overlayer_lowered  }
0x9b: {  	s22 =	simm.s32 $0x1BFF;
	s21 =	sshll.u32 s5, $0x1;
	s2 =	sadd.s32 s19, s18  }
0x9c: {  	s6 =	simm.s32 $0x0;
	s20 =	sshll.u32 s4, $0x1;
	s4 =	sadd.s32 s21, s2  }
0x9d: {  	[timem:s6], [sflag:s22] =	dma.local [hbm:s4], s20  }
0x9e: {  	_ =	swait.ge [sflag:s22], s20  }
0x9f: {  	s3 =	ssub.s32 $0x0, s20;
	[sflag:s22] =	ssyncset.done $0x0  }
0xa0: {  	[sflag:s22] =	ssyncadd.s32 s3;
	_ =	sdelay $0x1  }
0xa1: {  	s23 =	simm.s32 $0x1B8B  }
0xa2: {  	_ =	swait.ge [sflag:s23], $0x1  }
0xa3: {  	[sflag:s23] =	ssyncset.done $0x0  }
0xa4: {  	s25 =	simm.s32 $0x1B8E;
	s24 =	sld [smem:$0x3FFE];
	[sflag:s23] =	ssyncadd.s32 $0xFFFFFFFF  }
0xa5: {  	s26 =	simm.s32 $execute0_lowered;
	[smem:$0x3FD2] =	sst s25  }
0xa6: {  	s4 =	sshll.u32 s26, $0x1;
	_ =	strace $0x8000004C;
	[dreg:$0x1] =	wrdreg $0xFFFFFFFF  }
0xa7: {  	s28 =	simm.s32 $_size_execute0_lowered;
	s2 =	sadd.s32 s2, s4;
	[dreg:$0x0] =	wrdreg $0x0  }
0xa8: {  	s4 =	sshll.u32 s28, $0x1;
	[dreg:$0x2] =	wrdreg s2  }
0xa9: {  	[dreg:$0x3] =	wrdreg s4  }
0xaa: {  	[dreg:$0x4] =	wrdreg $0xC0  }
0xab: {  	_ =	task [dreg:s6], $0x5FFFF  }
0xac: {  	[dreg:$0x1] =	wrdreg $0xFFFFFFFF  }
0xad: {  	[dreg:$0x0] =	wrdreg $0x60  }
0xae: {  	[dreg:$0x2] =	wrdreg s24  }
0xaf: {  	[dreg:$0x3] =	wrdreg $0x52000  }
0xb0: {  	[dreg:$0x4] =	wrdreg $0x9  }
0xb1: {  	_ =	task.clear_ibuf [dreg:s6], $0x5FFFF;
	_ =	strace $0x9000004C  }
0xb2: {  	s29 =	simm.s32 $0x9;
	_ =	strace $0x8000004E  }
0xb3: {  	_ =	swait.ge [sflag:s29], $0x1  }
0xb4: {  	[sflag:s29] =	ssyncadd.s32 $0xFFFFFFFF  }
0xb5: {  	_ =	strace $0x9000004E  }
0xb6: {  	_ =	sfence  }
0xb7: {  	s30 =	sld [smem:$0x0];
	_ =	sdelay $0x2  }
0xb8: {  	s31 =	sshll.u32 s1, $0xD;
	s1 =	sshrl.u32 s1, $0x2  }
0xb9: {  	s3 =	sand.u32 $0x4000, s31;
	s1 =	sadd.s32 s1, s30  }
0xba: {  	s0 =	sor.u32 s3, s0;
	s1 =	sshll.u32 s1, $0x11  }
0xbb: {  	s0 =	sor.u32 s1, s0  }
0xbc: {  	s0 =	sadd.s32 $0x8F2B, s0  }
0xbd: {  	[sflag:s0] =	ssyncadd.remote.s32 $0x1  }
0xbe: {  	_ =	sfence.sel $0xFFFF  }
0xbf: {  	[dreg:$0x0] =	wrdreg $0xFFFFFFFF;
	(pc) =	sbr.abs _section_cstart, $3  }
0xc0: {  	[dreg:$0x1] =	wrdreg $0xFFFFFFFF  }
0xc1: {  	_ =	task.clear_ibuf [dreg:s6], $0x2FFFF;
	_ =	strace $0x9FFFFFFF  }
0xc2: {  	(tm) =	ssettm $0x7FFFFFFF  }
0xc3: {  	_ =	shalt  }
tec
execute0_lowered:
.L_overlay_start_1:
0x0: {  	(tag) =	ssettag $0x1  }
0x1: {  	s10 =	rddreg [dreg:$0x0]  }
0x2: {  	s1 =	rddreg [dreg:$0x1];
	s2 =	srdreg.scid;
	s3 =	simm.s32 $0x0  }
0x3: {  	s0 =	stileid.u32;
	s18 =	simm.s32 $0x41200;
	s19 =	simm.s32 $0x50  }
0x4: {  	s20 =	simm.s32 $0x200;
	s21 =	simm.s32 $0x80;
	s22 =	simm.s32 $0x180  }
0x5: {  	s23 =	simm.s32 $0x2A00;
	s24 =	simm.s32 $0x1;
	s9 =	smul.u32 $0x50000, s0  }
0x6: {  	s14 =	sand.u32 $0x1, s2;
	[smem:$0x7FF] =	sst s3;
	s12 =	smul.u32 $0x2800, s0  }
0x7: {  	s5 =	sadd.s32 $0x2E00, s10;
	s15 =	sadd.s32 $0x3EA00, s10;
	s13 =	smul.u32 $0x2710, s0  }
0x8: {  	s31 =	sshll.u32 s0, $0x6;
	s4 =	sshll.u32 s14, $0x4;
	_ =	strace $0x8000004D  }
0x9: {  	s7 =	ssub.s32 $0x2, s14;
	s26 =	smul.u32 $0x27100, s14;
	p0 =	seq.s32 s14, $0x0  }
0xa: {  	s6 =	sor.u32 s0, s4;
	s4 =	sadd.s32 $0x16A00, s10;
	s11 =	sshrl.u32 s7, $0x1  }
0xb: {  	s25 =	sshrl.u32 s9, $0x2;
	s18 =	simm.s32 @!p0 $0x69200;
	p0 =	sne.s32 s14, $0x0  }
0xc: {  	s8 =	smul.u32 $0x2710, s6;
	s6 =	sadd.s32 $0xCC00, s10;
	s11 =	ssub.s32 s7, s11  }
0xd: {  	s16 =	sadd.s32 s25, s1;
	s7 =	sadd.s32 s4, s12;
	s13 =	sadd.s32 s13, s26  }
0xe: {  	s28 =	sadd.s32 s18, s10;
	s18 =	simm.s32 $0x100;
	s25 =	simm.s32 $0x2  }
0xf: {  	s26 =	simm.s32 $0x0;
	s29 =	sadd.s32 $0x50, s13;
	s10 =	smax.u32 s11, $0x1  }
0x10: {  	s11 =	sadd.s32 s28, s12;
	s12 =	sadd.s32 $0xA0, s13;
	s7 =	smov.u32 @p0 s15  }
0x11: {  	s15 =	sor.u32 $0x1C03, s31;
	s16 =	sshrl.u32 s16, $0x3;
	s17 =	sshrl.u32 s8, $0x3  }
0x12: {  	s30 =	sshrl.u32 s29, $0x3;
	s8 =	sadd.s32 s5, s17;
	s9 =	sadd.s32 s6, s17  }
0x13: {  	s13 =	sadd.s32 s30, s6;
	s14 =	sadd.s32 s30, s5;
	s17 =	simm.s32 $0x3  }
.LBB2_1:
0x14: {  	[spmem:s16], [sflag:s15] =	dma.local [hbm:s7], $0x2800  }
0x15: {  	_ =	swait.ge [sflag:s17], $0x2800  }
0x16: {  	[sflag:s17] =	ssyncset.done $0x0  }
0x17: {  	[sflag:s17] =	ssyncadd.s32 $0xFFFFD800  }
0x18: {  	[bflag:$0x0] =	sbarrier.arrive $0xFFFF  }
0x19: {  	[tilespmem:s3], [sflag:$0x3] =	stream.linear.gather [hbm4b:s8+s3], $0x50, $0x38;
	[tilespmem:$0x19200] =	vst v63  }
0x1a: {  	_ =	swait.ge [sflag:s17], $0x50  }
0x1b: {  	[sflag:s17] =	ssyncset.done $0x0  }
0x1c: {  	[sflag:s17] =	ssyncadd.s32 $0xFFFFFFB0  }
0x1d: {  	[tilespmem:s18], [sflag:$0x3] =	stream.linear.gather [hbm4b:s9+s3], $0x50, $0x38;
	[tilespmem:$0x19200] =	vst v63  }
0x1e: {  	_ =	swait.ge [sflag:s17], $0x50  }
0x1f: {  	[sflag:s17] =	ssyncset.done $0x0  }
0x20: {  	[sflag:s17] =	ssyncadd.s32 $0xFFFFFFB0  }
0x21: {  	[tilespmem:s20], [sflag:$0x1] =	stream.indirect.gather [hbm4b:s4+s19], $0x80, s3, s19, $0xb8;
	[tilespmem:$0x19200] =	vst v63  }
0x22: {  	s28 =	sadd.s32 $0x0, s14  }
0x23: {  	[tilespmem:s21], [sflag:$0x3] =	stream.linear.gather [hbm4b:s28+s3], $0x50, $0x38;
	[tilespmem:$0x19200] =	vst v63  }
0x24: {  	_ =	swait.ge [sflag:s17], $0x50  }
0x25: {  	[sflag:s17] =	ssyncset.done $0x0  }
0x26: {  	s28 =	sadd.s32 $0x0, s13;
	[sflag:s17] =	ssyncadd.s32 $0xFFFFFFB0  }
0x27: {  	[tilespmem:s22], [sflag:$0x3] =	stream.linear.gather [hbm4b:s28+s3], $0x50, $0x38;
	[tilespmem:$0x19200] =	vst v63  }
0x28: {  	_ =	swait.ge [sflag:s17], $0x50  }
0x29: {  	[sflag:s17] =	ssyncset.done $0x0  }
0x2a: {  	[sflag:s17] =	ssyncadd.s32 $0xFFFFFFB0  }
0x2b: {  	[tilespmem:s23], [sflag:$0x2] =	stream.indirect.gather [hbm4b:s4+s19], $0x80, s21, s19, $0xb8;
	[tilespmem:$0x19200] =	vst v63  }
0x2c: {  	_ =	swait.ge [sflag:s24], $0x2800  }
0x2d: {  	[sflag:s24] =	ssyncset.done $0x0  }
0x2e: {  	[sflag:s24] =	ssyncadd.s32 $0xFFFFD800  }
0x2f: {  	[spmem:s1] =	stream.indirect.scatter.add.f32 [tilespmem:s20], [sflag:$0x3], $0x80, s18, s19, $0xb8;
	[tilespmem:$0x19200] =	vst v63  }
0x30: {  	_ =	swait.ge [sflag:s17], $0x2800  }
0x31: {  	s28 =	sshrl.u32 s12, $0x3;
	[sflag:s17] =	ssyncset.done $0x0  }
0x32: {  	s29 =	sadd.s32 s5, s28;
	[sflag:s17] =	ssyncadd.s32 $0xFFFFD800  }
0x33: {  	[tilespmem:s3], [sflag:$0x3] =	stream.linear.gather [hbm4b:s29+s3], $0x50, $0x38;
	[tilespmem:$0x19200] =	vst v63  }
0x34: {  	_ =	swait.ge [sflag:s17], $0x50  }
0x35: {  	[sflag:s17] =	ssyncset.done $0x0  }
0x36: {  	s28 =	sadd.s32 s6, s28;
	[sflag:s17] =	ssyncadd.s32 $0xFFFFFFB0  }
0x37: {  	[tilespmem:s18], [sflag:$0x3] =	stream.linear.gather [hbm4b:s28+s3], $0x50, $0x38;
	[tilespmem:$0x19200] =	vst v63  }
0x38: {  	_ =	swait.ge [sflag:s17], $0x50  }
0x39: {  	[sflag:s17] =	ssyncset.done $0x0  }
0x3a: {  	[sflag:s17] =	ssyncadd.s32 $0xFFFFFFB0  }
0x3b: {  	[tilespmem:s20], [sflag:$0x1] =	stream.indirect.gather [hbm4b:s4+s19], $0x80, s3, s19, $0xb8;
	[tilespmem:$0x19200] =	vst v63  }
0x3c: {  	_ =	swait.ge [sflag:s25], $0x2800  }
0x3d: {  	[sflag:s25] =	ssyncset.done $0x0  }
0x3e: {  	[sflag:s25] =	ssyncadd.s32 $0xFFFFD800  }
0x3f: {  	[spmem:s1] =	stream.indirect.scatter.add.f32 [tilespmem:s23], [sflag:$0x3], $0x80, s22, s19, $0xb8;
	[tilespmem:$0x19200] =	vst v63  }
0x40: {  	s31 =	simm.s32 $0x28;
	_ =	swait.ge [sflag:s17], $0x2800  }
0x41: {  	s29 =	simm.s32 $0x14;
	s28 =	sadd.s32 $0xA0, s12;
	[sflag:s17] =	ssyncset.done $0x0  }
.LBB2_2:
0x42: {  	s0 =	sadd.s32 s29, s14  }
0x43: {  	[sflag:s17] =	ssyncadd.s32 $0xFFFFD800;
	s2 =	smov.u32 s31;
	s30 =	sadd.s32 $0x14, s31  }
0x44: {  	[tilespmem:s21], [sflag:$0x3] =	stream.linear.gather [hbm4b:s0+s3], $0x50, $0x38;
	[tilespmem:$0x19200] =	vst v63  }
0x45: {  	p0 =	sne.s32 s31, $0x4C4;
	_ =	swait.ge [sflag:s17], $0x50  }
0x46: {  	[sflag:s17] =	ssyncset.done $0x0  }
0x47: {  	s0 =	sadd.s32 s29, s13;
	s29 =	smov.u32 s2;
	[sflag:s17] =	ssyncadd.s32 $0xFFFFFFB0  }
0x48: {  	[tilespmem:s22], [sflag:$0x3] =	stream.linear.gather [hbm4b:s0+s3], $0x50, $0x38;
	[tilespmem:$0x19200] =	vst v63  }
0x49: {  	_ =	swait.ge [sflag:s17], $0x50  }
0x4a: {  	[sflag:s17] =	ssyncset.done $0x0  }
0x4b: {  	[sflag:s17] =	ssyncadd.s32 $0xFFFFFFB0  }
0x4c: {  	[tilespmem:s23], [sflag:$0x2] =	stream.indirect.gather [hbm4b:s4+s19], $0x80, s21, s19, $0xb8;
	[tilespmem:$0x19200] =	vst v63  }
0x4d: {  	_ =	swait.ge [sflag:s24], $0x2800  }
0x4e: {  	[sflag:s24] =	ssyncset.done $0x0  }
0x4f: {  	[sflag:s24] =	ssyncadd.s32 $0xFFFFD800  }
0x50: {  	[spmem:s1] =	stream.indirect.scatter.add.f32 [tilespmem:s20], [sflag:$0x3], $0x80, s18, s19, $0xb8;
	[tilespmem:$0x19200] =	vst v63  }
0x51: {  	_ =	swait.ge [sflag:s17], $0x2800  }
0x52: {  	s0 =	sshrl.u32 s28, $0x3;
	[sflag:s17] =	ssyncset.done $0x0  }
0x53: {  	s2 =	sadd.s32 s5, s0;
	[sflag:s17] =	ssyncadd.s32 $0xFFFFD800  }
0x54: {  	[tilespmem:s3], [sflag:$0x3] =	stream.linear.gather [hbm4b:s2+s3], $0x50, $0x38;
	[tilespmem:$0x19200] =	vst v63  }
0x55: {  	_ =	swait.ge [sflag:s17], $0x50  }
0x56: {  	[sflag:s17] =	ssyncset.done $0x0  }
0x57: {  	s0 =	sadd.s32 s6, s0;
	[sflag:s17] =	ssyncadd.s32 $0xFFFFFFB0  }
0x58: {  	[tilespmem:s18], [sflag:$0x3] =	stream.linear.gather [hbm4b:s0+s3], $0x50, $0x38;
	[tilespmem:$0x19200] =	vst v63  }
0x59: {  	_ =	swait.ge [sflag:s17], $0x50  }
0x5a: {  	[sflag:s17] =	ssyncset.done $0x0  }
0x5b: {  	[sflag:s17] =	ssyncadd.s32 $0xFFFFFFB0  }
0x5c: {  	[tilespmem:s20], [sflag:$0x1] =	stream.indirect.gather [hbm4b:s4+s19], $0x80, s3, s19, $0xb8;
	[tilespmem:$0x19200] =	vst v63  }
0x5d: {  	_ =	swait.ge [sflag:s25], $0x2800  }
.Ltmp0:
0x5e: {  	[sflag:s25] =	ssyncset.done $0x0;
	(pc) =	sbr.rel @p0 .LBB2_2-.Ltmp0, $4  }
0x5f: {  	[sflag:s25] =	ssyncadd.s32 $0xFFFFD800  }
0x60: {  	[spmem:s1] =	stream.indirect.scatter.add.f32 [tilespmem:s23], [sflag:$0x3], $0x80, s22, s19, $0xb8;
	[tilespmem:$0x19200] =	vst v63  }
0x61: {  	_ =	swait.ge [sflag:s17], $0x2800  }
0x62: {  	s31 =	smov.u32 s30;
	s28 =	sadd.s32 $0xA0, s28;
	[sflag:s17] =	ssyncset.done $0x0  }
0x63: {  	s0 =	sadd.s32 s29, s14;
	[sflag:s17] =	ssyncadd.s32 $0xFFFFD800  }
0x64: {  	[tilespmem:s21], [sflag:$0x3] =	stream.linear.gather [hbm4b:s0+s3], $0x50, $0x38;
	[tilespmem:$0x19200] =	vst v63  }
0x65: {  	_ =	swait.ge [sflag:s17], $0x50  }
0x66: {  	[sflag:s17] =	ssyncset.done $0x0  }
0x67: {  	s30 =	sadd.s32 s29, s13;
	[sflag:s17] =	ssyncadd.s32 $0xFFFFFFB0  }
0x68: {  	[tilespmem:s22], [sflag:$0x3] =	stream.linear.gather [hbm4b:s30+s3], $0x50, $0x38;
	[tilespmem:$0x19200] =	vst v63  }
0x69: {  	_ =	swait.ge [sflag:s17], $0x50  }
0x6a: {  	[sflag:s17] =	ssyncset.done $0x0  }
0x6b: {  	[sflag:s17] =	ssyncadd.s32 $0xFFFFFFB0  }
0x6c: {  	[tilespmem:s23], [sflag:$0x2] =	stream.indirect.gather [hbm4b:s4+s19], $0x80, s21, s19, $0xb8;
	[tilespmem:$0x19200] =	vst v63  }
0x6d: {  	_ =	swait.ge [sflag:s24], $0x2800  }
0x6e: {  	[sflag:s24] =	ssyncset.done $0x0  }
0x6f: {  	[sflag:s24] =	ssyncadd.s32 $0xFFFFD800  }
0x70: {  	[spmem:s1] =	stream.indirect.scatter.add.f32 [tilespmem:s20], [sflag:$0x3], $0x80, s18, s19, $0xb8;
	[tilespmem:$0x19200] =	vst v63  }
0x71: {  	_ =	swait.ge [sflag:s17], $0x2800  }
0x72: {  	s31 =	sshrl.u32 s28, $0x3;
	[sflag:s17] =	ssyncset.done $0x0  }
0x73: {  	s2 =	sadd.s32 s5, s31;
	[sflag:s17] =	ssyncadd.s32 $0xFFFFD800  }
0x74: {  	[tilespmem:s3], [sflag:$0x3] =	stream.linear.gather [hbm4b:s2+s3], $0x50, $0x38;
	[tilespmem:$0x19200] =	vst v63  }
0x75: {  	_ =	swait.ge [sflag:s17], $0x50  }
0x76: {  	[sflag:s17] =	ssyncset.done $0x0  }
0x77: {  	s0 =	sadd.s32 s6, s31;
	[sflag:s17] =	ssyncadd.s32 $0xFFFFFFB0  }
0x78: {  	[tilespmem:s18], [sflag:$0x3] =	stream.linear.gather [hbm4b:s0+s3], $0x50, $0x38;
	[tilespmem:$0x19200] =	vst v63  }
0x79: {  	_ =	swait.ge [sflag:s17], $0x50  }
0x7a: {  	[sflag:s17] =	ssyncset.done $0x0  }
0x7b: {  	[sflag:s17] =	ssyncadd.s32 $0xFFFFFFB0  }
0x7c: {  	[tilespmem:s20], [sflag:$0x1] =	stream.indirect.gather [hbm4b:s4+s19], $0x80, s3, s19, $0xb8;
	[tilespmem:$0x19200] =	vst v63  }
0x7d: {  	_ =	swait.ge [sflag:s25], $0x2800  }
0x7e: {  	[sflag:s25] =	ssyncset.done $0x0  }
0x7f: {  	[sflag:s25] =	ssyncadd.s32 $0xFFFFD800  }
0x80: {  	[spmem:s1] =	stream.indirect.scatter.add.f32 [tilespmem:s23], [sflag:$0x3], $0x80, s22, s19, $0xb8;
	[tilespmem:$0x19200] =	vst v63  }
0x81: {  	_ =	swait.ge [sflag:s17], $0x2800  }
0x82: {  	[sflag:s17] =	ssyncset.done $0x0  }
0x83: {  	[sflag:s17] =	ssyncadd.s32 $0xFFFFD800  }
0x84: {  	_ =	swait.ge [sflag:s24], $0x2800  }
0x85: {  	[sflag:s24] =	ssyncset.done $0x0  }
0x86: {  	[sflag:s24] =	ssyncadd.s32 $0xFFFFD800  }
0x87: {  	[spmem:s1] =	stream.indirect.scatter.add.f32 [tilespmem:s20], [sflag:$0x3], $0x80, s18, s19, $0xb8;
	[tilespmem:$0x19200] =	vst v63  }
0x88: {  	_ =	swait.ge [sflag:s17], $0x2800  }
0x89: {  	s26 =	sadd.s32 $0x1, s26;
	[sflag:s17] =	ssyncset.done $0x0  }
0x8a: {  	p0 =	sne.s32 s26, s10;
	[sflag:s17] =	ssyncadd.s32 $0xFFFFD800  }
.Ltmp1:
0x8b: {  	[bflag:$0x0] =	sbarrier.arrive $0xFFFF;
	(pc) =	sbr.rel @p0 .LBB2_1-.Ltmp1, $4  }
0x8c: {  	[hbm:s11], [sflag:s15] =	dma.local [spmem:s16], $0x2800  }
0x8d: {  	_ =	swait.ge [sflag:s17], $0x2800  }
0x8e: {  	[sflag:s17] =	ssyncset.done $0x0  }
0x8f: {  	[sflag:s17] =	ssyncadd.s32 $0xFFFFD800  }
0x90: {  	_ =	sfence.sel $0x180000  }
0x91: {  	[bflag:$0x0] =	sbarrier.arrive $0xFFFF  }
0x92: {  	_ =	strace $0x9000004D  }
0x93: {  	s0 =	stileid.u32;
	[bflag:$0x2] =	sbarrier.arrive $0xFFFF  }
0x94: {  	p0 =	sne.s32 s0, $0x0;
	s0 =	rddreg [dreg:$0x2]  }
0x95: {  	s0 =	sadd.s32 @!p0 $0x100000, s0  }
0x96: {  	[sflag:s0] =	ssyncadd.tile.s32 @!p0 $0x1;
	_ =	shalt  }
.Lfunc_end2:
_tile_overlayer_lowered:
.L_overlay_start_2:
0x97: {  	(tag) =	ssettag $0x2  }
0x98: {  	s0 =	rddreg [dreg:$0x0];
	s2 =	stileid.u32  }
0x99: {  	s1 =	rddreg [dreg:$0x1];
	p0 =	sne.s32 s2, $0x0  }
0x9a: {  	s3 =	rddreg [dreg:$0x2];
	[bflag:$0x3] =	sbarrier.arrive $0xFFFF;
	s2 =	simm.s32 @!p0 $0x1C03  }
0x9b: {  	[timem:s3], [sflag:s2] =	dma.local @!p0 [hbm:s0], s1  }
0x9c: {  	s0 =	simm.s32 @!p0 $0x3  }
0x9d: {  	_ =	swait.ge @!p0 [sflag:s0], s1  }
0x9e: {  	s1 =	ssub.s32 @!p0 $0x0, s1;
	[sflag:s0] =	ssyncset.done @!p0 $0x0  }
0x9f: {  	[sflag:s0] =	ssyncadd.s32 @!p0 s1  }
0xa0: {  	[bflag:$0x3] =	sbarrier.arrive $0xFFFF  }
0xa1: {  	_ =	shalt  }

// kernel: kernel.8.cloned.1.call-start
scs
__scs_entry_jumppad:
0x0: {  	(pc) =	sbr.rel $0x88, $3  }
0x1: {  	(tag) =	ssettag $0x0;
	lr =	simm.s32 $0x1  }
0x2: {  	[smem:$0x3F99] =	sst lr;
	_ =	strace $0xD0000000  }
0x3: {  	_ = 	snop  }
0x4: {  	_ = 	snop  }
0x5: {  	_ = 	snop  }
0x6: {  	_ = 	snop  }
0x7: {  	_ = 	snop  }
__scs_overlays_trampoline_lowered:
0x8: {  	[smem:$0x3FA8] =	sst s0  }
0x9: {  	[smem:$0x3FA9] =	sst s1  }
0xa: {  	[smem:$0x3FAA] =	sst s2  }
0xb: {  	[smem:$0x3FAB] =	sst s3  }
0xc: {  	[smem:$0x3FAC] =	sst s4  }
0xd: {  	[smem:$0x3FAD] =	sst s5  }
0xe: {  	[smem:$0x3FAE] =	sst s6  }
0xf: {  	[smem:$0x3FAF] =	sst s7  }
0x10: {  	[smem:$0x3FB0] =	sst s8  }
0x11: {  	[smem:$0x3FB1] =	sst s9;
	s0 =	simm.s32 @!p0 $0x0  }
0x12: {  	s1 =	sld [smem:$0x3F97];
	s0 =	simm.s32 @p0 $0x1  }
0x13: {  	[smem:$0x3FB2] =	sst s0;
	s0 =	simm.s32 @!p1 $0x0  }
0x14: {  	s2 =	sld [smem:$0x3F96];
	s0 =	simm.s32 @p1 $0x1  }
0x15: {  	[smem:$0x3FB3] =	sst s0;
	s0 =	simm.s32 @!p2 $0x0  }
0x16: {  	s3 =	sld [smem:$0x3FDB];
	s0 =	simm.s32 @p2 $0x1  }
0x17: {  	s4 =	simm.s32 $0x1BF5;
	[smem:$0x3FB5] =	sst s0  }
0x18: {  	s0 =	sld [smem:$0x3F98];
	_ =	swait.ge [sflag:s4], $0x0  }
0x19: {  	s7 =	sld [smem:$0x3F99]  }
0x1a: {  	s8 =	sadd.s32 $0xFFFFE003, lr  }
0x1b: {  	s9 =	sadd.s32 $0xFFFFFEF7, lr;
	s5 =	simm.s32 $0xFFFFFFFF;
	p2 =	slt.u32 s8, $0xFFFFF086  }
0x1c: {  	p1 =	slt.u32 s9, $0xF7A;
	s5 =	simm.s32 @!p2 $0x0  }
0x1d: {  	s5 =	simm.s32 @p1 $0x1;
	p0 =	seq.s32 s7, s2  }
0x1e: {  	s7 =	smul.u32 @!p0 $0xF7A, s2;
	p2 =	seq.s32 @!p0 s5, $0x0  }
0x1f: {  	s9 =	smul.u32 $0xF7A, s1;
	s8 =	simm.s32 @!p0 $0x1BF5;
	p2 =	por !p2, p0  }
0x20: {  	[sflag:s8] =	ssyncset.s32 @!p0 $0xFFFFF086;
	s6 =	sadd.s32 @!p0 s3, s7;
	s7 =	simm.s32 @!p0 $0x108  }
0x21: {  	s3 =	sadd.s32 s3, s9;
	s6 =	sadd.s32 @!p0 $0x88, s6;
	s7 =	simm.s32 @p2 $0x1082  }
0x22: {  	[simem:s7], [sflag:s8] =	dma.local @!p0 [hbm:s6], $0xF7A  }
0x23: {  	s9 =	sor.u32 $0xD0000000, s2;
	s6 =	simm.s32 $0x108;
	_ =	swait.ge @!p0 [sflag:s8], $0x0  }
0x24: {  	s3 =	sadd.s32 $0x88, s3;
	s6 =	simm.s32 @!p1 $0x1082;
	[sflag:s4] =	ssyncset.s32 $0xFFFFF086  }
0x25: {  	[simem:s6], [sflag:s4] =	dma.local [hbm:s3], $0xF7A  }
0x26: {  	[smem:$0x3F99] =	sst s1;
	(tag) =	ssettag s2;
	_ =	strace s9  }
0x27: {  	s1 =	sld [smem:$0x3FA9]  }
0x28: {  	s2 =	sld [smem:$0x3FAA]  }
0x29: {  	s4 =	sld [smem:$0x3FAC]  }
0x2a: {  	p0 =	seq.s32 s5, $0x0;
	s5 =	sld [smem:$0x3FAD]  }
0x2b: {  	s6 =	sld [smem:$0x3FAE]  }
0x2c: {  	s7 =	sld [smem:$0x3FAF]  }
0x2d: {  	s3 =	simm.s32 $0x108;
	s8 =	sld [smem:$0x3FB0]  }
0x2e: {  	s3 =	simm.s32 @!p0 $0x1082;
	s9 =	sld [smem:$0x3FB1]  }
0x2f: {  	lr =	sadd.s32 s0, s3;
	s0 =	sld [smem:$0x3FA8]  }
0x30: {  	s3 =	sld [smem:$0x3FAB]  }
0x31: {  	[smem:$0x3FB4] =	sst s10  }
0x32: {  	s10 =	sld [smem:$0x3FB2];
	_ =	sdelay $0x3  }
0x33: {  	p0 =	seq.s32 s10, $0x1;
	s10 =	sld [smem:$0x3FB4];
	_ =	sdelay $0x3  }
0x34: {  	[smem:$0x3FB4] =	sst s10  }
0x35: {  	s10 =	sld [smem:$0x3FB3];
	_ =	sdelay $0x3  }
0x36: {  	p1 =	seq.s32 s10, $0x1;
	s10 =	sld [smem:$0x3FB4];
	_ =	sdelay $0x3  }
0x37: {  	[smem:$0x3FB4] =	sst s10  }
0x38: {  	s10 =	sld [smem:$0x3FB5]  }
0x39: {  	_ = 	snop;
	(pc) =	sbr.ind lr, $3  }
0x3a: {  	_ = 	snop  }
0x3b: {  	_ = 	snop  }
0x3c: {  	p2 =	seq.s32 s10, $0x1;
	s10 =	sld [smem:$0x3FB4]  }
0x3d: {  	_ =	shalt  }
0x3e: {  	_ =	shalt  }
0x3f: {  	_ =	shalt  }
0x40: {  	_ =	shalt  }
0x41: {  	_ =	shalt  }
0x42: {  	_ =	shalt  }
0x43: {  	_ =	shalt  }
0x44: {  	_ =	shalt  }
0x45: {  	_ =	shalt  }
0x46: {  	_ =	shalt  }
0x47: {  	_ =	shalt  }
0x48: {  	_ =	shalt  }
0x49: {  	_ =	shalt  }
0x4a: {  	_ =	shalt  }
0x4b: {  	_ =	shalt  }
0x4c: {  	_ =	shalt  }
0x4d: {  	_ =	shalt  }
0x4e: {  	_ =	shalt  }
0x4f: {  	_ =	shalt  }
0x50: {  	_ =	shalt  }
0x51: {  	_ =	shalt  }
0x52: {  	_ =	shalt  }
0x53: {  	_ =	shalt  }
0x54: {  	_ =	shalt  }
0x55: {  	_ =	shalt  }
0x56: {  	_ =	shalt  }
0x57: {  	_ =	shalt  }
0x58: {  	_ =	shalt  }
0x59: {  	_ =	shalt  }
0x5a: {  	_ =	shalt  }
0x5b: {  	_ =	shalt  }
0x5c: {  	_ =	shalt  }
0x5d: {  	_ =	shalt  }
0x5e: {  	_ =	shalt  }
0x5f: {  	_ =	shalt  }
0x60: {  	_ =	shalt  }
0x61: {  	_ =	shalt  }
0x62: {  	_ =	shalt  }
0x63: {  	_ =	shalt  }
0x64: {  	_ =	shalt  }
0x65: {  	_ =	shalt  }
0x66: {  	_ =	shalt  }
0x67: {  	_ =	shalt  }
0x68: {  	_ =	shalt  }
0x69: {  	_ =	shalt  }
0x6a: {  	_ =	shalt  }
0x6b: {  	_ =	shalt  }
0x6c: {  	_ =	shalt  }
0x6d: {  	_ =	shalt  }
0x6e: {  	_ =	shalt  }
0x6f: {  	_ =	shalt  }
0x70: {  	_ =	shalt  }
0x71: {  	_ =	shalt  }
0x72: {  	_ =	shalt  }
0x73: {  	_ =	shalt  }
0x74: {  	_ =	shalt  }
0x75: {  	_ =	shalt  }
0x76: {  	_ =	shalt  }
0x77: {  	_ =	shalt  }
0x78: {  	_ =	shalt  }
0x79: {  	_ =	shalt  }
0x7a: {  	_ =	shalt  }
0x7b: {  	_ =	shalt  }
0x7c: {  	_ =	shalt  }
0x7d: {  	_ =	shalt  }
0x7e: {  	_ =	shalt  }
0x7f: {  	_ =	shalt  }
0x80: {  	_ =	shalt  }
0x81: {  	_ =	shalt  }
0x82: {  	_ =	shalt  }
0x83: {  	_ =	shalt  }
0x84: {  	_ =	shalt  }
0x85: {  	_ =	shalt  }
0x86: {  	_ =	shalt  }
0x87: {  	_ =	shalt  }
.Lfunc_end0:
.L_simem_size_0:
called_computation_lowered:
.L_overlay_start_0:
0x88: {  	s2 =	sld [smem:$0x3FD9]  }
0x89: {  	s3 =	sld [smem:$0x3FFE];
	_ =	sdelay $0x1  }
0x8a: {  	s1 =	srdreg.scid  }
0x8b: {  	s0 =	sand.u32 $0x1, s1  }
0x8c: {  	s16 =	sshll.u32 s0, $0xA;
	s2 =	sadd.s32 s3, s2  }
0x8d: {  	s2 =	sadd.s32 s2, s16  }
0x8e: {  	[smem:$0x3FC0] =	sst s2  }
0x8f: {  	_ = 	snop  }
0x90: {  	(tm) =	ssettm $0x1  }
0x91: {  	s17 =	sld [smem:$0x3FFB];
	_ =	sdelay $0x3  }
0x92: {  	_ =	strace s17  }
0x93: {  	s2 =	sld [smem:$0x3FFC];
	_ =	sdelay $0x3  }
0x94: {  	_ =	strace s2  }
0x95: {  	s2 =	sld [smem:$0x3FFD];
	_ =	sdelay $0x3  }
0x96: {  	_ =	strace s2  }
0x97: {  	_ =	strace $0x8FFFFFFF  }
0x98: {  	s18 =	sld [smem:$0x3FDB];
	_ =	sdelay $0x1  }
0x99: {  	s19 =	simm.s32 $_scs_section_size  }
0x9a: {  	s4 =	simm.s32 $_size__tile_overlayer_lowered;
	s5 =	simm.s32 $_tile_overlayer_lowered  }
0x9b: {  	s22 =	simm.s32 $0x1BFF;
	s21 =	sshll.u32 s5, $0x1;
	s2 =	sadd.s32 s19, s18  }
0x9c: {  	s6 =	simm.s32 $0x0;
	s20 =	sshll.u32 s4, $0x1;
	s4 =	sadd.s32 s21, s2  }
0x9d: {  	[timem:s6], [sflag:s22] =	dma.local [hbm:s4], s20  }
0x9e: {  	_ =	swait.ge [sflag:s22], s20  }
0x9f: {  	s3 =	ssub.s32 $0x0, s20;
	[sflag:s22] =	ssyncset.done $0x0  }
0xa0: {  	[sflag:s22] =	ssyncadd.s32 s3;
	_ =	sdelay $0x1  }
0xa1: {  	s23 =	simm.s32 $0x1B8B  }
0xa2: {  	_ =	swait.ge [sflag:s23], $0x1  }
0xa3: {  	[sflag:s23] =	ssyncset.done $0x0  }
0xa4: {  	s25 =	simm.s32 $0x1B8E;
	s24 =	sld [smem:$0x3FFE];
	[sflag:s23] =	ssyncadd.s32 $0xFFFFFFFF  }
0xa5: {  	s26 =	simm.s32 $execute0_lowered;
	[smem:$0x3FD2] =	sst s25  }
0xa6: {  	s4 =	sshll.u32 s26, $0x1;
	_ =	strace $0x80000046;
	[dreg:$0x1] =	wrdreg $0xFFFFFFFF  }
0xa7: {  	s28 =	simm.s32 $_size_execute0_lowered;
	s2 =	sadd.s32 s2, s4;
	[dreg:$0x0] =	wrdreg $0x0  }
0xa8: {  	s4 =	sshll.u32 s28, $0x1;
	[dreg:$0x2] =	wrdreg s2  }
0xa9: {  	[dreg:$0x3] =	wrdreg s4  }
0xaa: {  	[dreg:$0x4] =	wrdreg $0xC0  }
0xab: {  	_ =	task [dreg:s6], $0x5FFFF  }
0xac: {  	[dreg:$0x1] =	wrdreg $0xFFFFFFFF  }
0xad: {  	[dreg:$0x0] =	wrdreg $0x60  }
0xae: {  	[dreg:$0x2] =	wrdreg s24  }
0xaf: {  	[dreg:$0x3] =	wrdreg $0x3800  }
0xb0: {  	[dreg:$0x4] =	wrdreg $0x9  }
0xb1: {  	_ =	task.clear_ibuf [dreg:s6], $0x5FFFF;
	_ =	strace $0x90000046  }
0xb2: {  	s29 =	simm.s32 $0x9;
	_ =	strace $0x80000048  }
0xb3: {  	_ =	swait.ge [sflag:s29], $0x1  }
0xb4: {  	[sflag:s29] =	ssyncadd.s32 $0xFFFFFFFF  }
0xb5: {  	_ =	strace $0x90000048  }
0xb6: {  	_ =	sfence  }
0xb7: {  	s30 =	sld [smem:$0x0];
	_ =	sdelay $0x2  }
0xb8: {  	s31 =	sshll.u32 s1, $0xD;
	s1 =	sshrl.u32 s1, $0x2  }
0xb9: {  	s3 =	sand.u32 $0x4000, s31;
	s1 =	sadd.s32 s1, s30  }
0xba: {  	s0 =	sor.u32 s3, s0;
	s1 =	sshll.u32 s1, $0x11  }
0xbb: {  	s0 =	sor.u32 s1, s0  }
0xbc: {  	s0 =	sadd.s32 $0x8F2B, s0  }
0xbd: {  	[sflag:s0] =	ssyncadd.remote.s32 $0x1  }
0xbe: {  	_ =	sfence.sel $0xFFFF  }
0xbf: {  	[dreg:$0x0] =	wrdreg $0xFFFFFFFF;
	(pc) =	sbr.abs _section_cstart, $3  }
0xc0: {  	[dreg:$0x1] =	wrdreg $0xFFFFFFFF  }
0xc1: {  	_ =	task.clear_ibuf [dreg:s6], $0x2FFFF;
	_ =	strace $0x9FFFFFFF  }
0xc2: {  	(tm) =	ssettm $0x7FFFFFFF  }
0xc3: {  	_ =	shalt  }
tec
execute0_lowered:
.L_overlay_start_1:
0x0: {  	(tag) =	ssettag $0x1  }
0x1: {  	s4 =	rddreg [dreg:$0x0];
	s0 =	srdreg.scid  }
0x2: {  	s2 =	rddreg [dreg:$0x1];
	s1 =	stileid.u32;
	s3 =	simm.s32 $0x0  }
0x3: {  	s10 =	simm.s32 $0x50;
	s11 =	simm.s32 $0x80;
	s14 =	simm.s32 $0x20  }
0x4: {  	s15 =	simm.s32 $0x10;
	s16 =	simm.s32 $0x0;
	s7 =	smul.u32 $0x2710, s1  }
0x5: {  	s5 =	sand.u32 $0x1, s0;
	s0 =	rddreg [dreg:$0x2];
	s8 =	smul.u32 $0x500, s1  }
0x6: {  	[smem:$0x7FF] =	sst s3;
	s26 =	smul.u32 $0xA00, s1;
	s12 =	sshll.u32 s1, $0x6  }
0x7: {  	s6 =	smul.u32 $0x27100, s5;
	s25 =	sshll.u32 s5, $0x7;
	s5 =	ssub.s32 $0x2, s5  }
0x8: {  	_ =	strace $0x80000047;
	s12 =	sor.u32 $0x1C01, s12;
	s29 =	sshrl.u32 s5, $0x1  }
0x9: {  	s30 =	sshrl.u32 s26, $0x2;
	s6 =	sadd.s32 s7, s6;
	s7 =	sor.u32 s25, s8  }
0xa: {  	s31 =	ssub.s32 s5, s29;
	s6 =	sshrl.u32 s6, $0x3;
	s28 =	sshrl.u32 s7, $0x3  }
0xb: {  	s8 =	simm.s32 $0x100;
	s9 =	sadd.s32 s6, s4;
	s6 =	sadd.s32 s28, s4  }
0xc: {  	s4 =	sadd.s32 s30, s2;
	s5 =	sadd.s32 $0x16A00, s6;
	s6 =	smax.u32 s31, $0x1  }
0xd: {  	v0 =	vimm.f32 $1.000000000e+00;
	v1 =	vimm.f32 $0.0e+00;
	s7 =	sadd.s32 $0xCC00, s9;
	s9 =	simm.s32 $0x1;
	s13 =	sshrl.u32 s4, $0x3  }
.LBB2_1:
0xe: {  	[tilespmem:$0x80] =	vst v0  }
0xf: {  	[tilespmem:$0x90] =	vst v0  }
0x10: {  	[tilespmem:$0xA0] =	vst v0  }
0x11: {  	[tilespmem:$0xB0] =	vst v0  }
0x12: {  	[tilespmem:$0xC0] =	vst v0  }
0x13: {  	[tilespmem:$0x100] =	vst v1  }
0x14: {  	[tilespmem:$0x110] =	vst v1  }
0x15: {  	[tilespmem:$0x120] =	vst v1  }
0x16: {  	[tilespmem:$0x130] =	vst v1  }
0x17: {  	[tilespmem:$0x140] =	vst v1  }
0x18: {  	[tilespmem:$0x150] =	vst v1  }
0x19: {  	[tilespmem:$0x160] =	vst v1  }
0x1a: {  	[tilespmem:$0x170] =	vst v1  }
0x1b: {  	[tilespmem:$0x180] =	vst v1  }
0x1c: {  	[tilespmem:$0x190] =	vst v1  }
0x1d: {  	[tilespmem:$0x1A0] =	vst v1  }
0x1e: {  	[tilespmem:$0x1B0] =	vst v1  }
0x1f: {  	[tilespmem:$0x1C0] =	vst v1  }
0x20: {  	[tilespmem:$0x1D0] =	vst v1  }
0x21: {  	[tilespmem:$0x1E0] =	vst v1  }
0x22: {  	[tilespmem:$0x1F0] =	vst v1  }
0x23: {  	[tilespmem:$0x200] =	vst v1  }
0x24: {  	[tilespmem:$0x210] =	vst v1  }
0x25: {  	[tilespmem:$0x220] =	vst v1  }
0x26: {  	[tilespmem:$0x230] =	vst v1  }
0x27: {  	[tilespmem:$0x240] =	vst v1  }
0x28: {  	[tilespmem:$0x250] =	vst v1  }
0x29: {  	[tilespmem:$0x260] =	vst v1  }
0x2a: {  	[tilespmem:$0x270] =	vst v1  }
0x2b: {  	[tilespmem:$0x280] =	vst v1  }
0x2c: {  	[tilespmem:$0x290] =	vst v1  }
0x2d: {  	[tilespmem:$0x2A0] =	vst v1  }
0x2e: {  	[tilespmem:$0x2B0] =	vst v1  }
0x2f: {  	[tilespmem:$0x2C0] =	vst v1  }
0x30: {  	[tilespmem:$0x2D0] =	vst v1  }
0x31: {  	[tilespmem:$0x2E0] =	vst v1  }
0x32: {  	[tilespmem:$0x2F0] =	vst v1  }
0x33: {  	[tilespmem:$0x300] =	vst v1  }
0x34: {  	[tilespmem:$0x310] =	vst v1  }
0x35: {  	[tilespmem:$0x320] =	vst v1  }
0x36: {  	[tilespmem:$0x330] =	vst v1  }
0x37: {  	[tilespmem:$0x340] =	vst v1  }
0x38: {  	[tilespmem:$0x350] =	vst v1  }
0x39: {  	[tilespmem:$0x360] =	vst v1  }
0x3a: {  	[tilespmem:$0x370] =	vst v1  }
0x3b: {  	[spmem:s4] =	stream.linear.scatter [tilespmem:s8], [sflag:$0x1], $0x280, $0x38;
	[tilespmem:$0x600] =	vst v63  }
0x3c: {  	_ =	swait.ge [sflag:s9], $0x280  }
0x3d: {  	[sflag:s9] =	ssyncset.done $0x0  }
0x3e: {  	[sflag:s9] =	ssyncadd.s32 $0xFFFFFD80  }
0x3f: {  	s17 =	sadd.s32 $0x0, s7;
	[bflag:$0x0] =	sbarrier.arrive $0xFFFF  }
0x40: {  	[tilespmem:s3], [sflag:$0x1] =	stream.linear.gather [hbm4b:s17+s3], $0x50, $0x38;
	[tilespmem:$0x600] =	vst v63  }
0x41: {  	_ =	swait.ge [sflag:s9], $0x50  }
0x42: {  	[sflag:s9] =	ssyncset.done $0x0  }
0x43: {  	[sflag:s9] =	ssyncadd.s32 $0xFFFFFFB0  }
0x44: {  	[spmem:s2] =	stream.indirect.scatter.add.f32 [tilespmem:s11], [sflag:$0x1], $0x1, s3, s10, $0xb8;
	[tilespmem:$0x600] =	vst v63  }
0x45: {  	_ =	swait.ge [sflag:s9], $0x50  }
0x46: {  	s18 =	simm.s32 $0x14;
	s17 =	simm.s32 $0xA;
	[sflag:s9] =	ssyncset.done $0x0  }
.LBB2_2:
0x47: {  	s19 =	sadd.s32 s17, s7  }
0x48: {  	[sflag:s9] =	ssyncadd.s32 $0xFFFFFFB0;
	s17 =	smov.u32 s18;
	s20 =	sadd.s32 $0xA, s18  }
0x49: {  	[tilespmem:s3], [sflag:$0x1] =	stream.linear.gather [hbm4b:s19+s3], $0x50, $0x38;
	[tilespmem:$0x600] =	vst v63  }
0x4a: {  	p0 =	sne.s32 s18, $0x4D8;
	_ =	swait.ge [sflag:s9], $0x50  }
.Ltmp0:
0x4b: {  	[sflag:s9] =	ssyncset.done $0x0;
	(pc) =	sbr.rel @p0 .LBB2_2-.Ltmp0, $4  }
0x4c: {  	[sflag:s9] =	ssyncadd.s32 $0xFFFFFFB0  }
0x4d: {  	[spmem:s2] =	stream.indirect.scatter.add.f32 [tilespmem:s11], [sflag:$0x1], $0x1, s3, s10, $0xb8;
	[tilespmem:$0x600] =	vst v63  }
0x4e: {  	_ =	swait.ge [sflag:s9], $0x50  }
0x4f: {  	s18 =	smov.u32 s20;
	[sflag:s9] =	ssyncset.done $0x0  }
0x50: {  	s17 =	sadd.s32 s17, s7;
	[sflag:s9] =	ssyncadd.s32 $0xFFFFFFB0  }
0x51: {  	[tilespmem:s3], [sflag:$0x1] =	stream.linear.gather [hbm4b:s17+s3], $0x50, $0x38;
	[tilespmem:$0x600] =	vst v63  }
0x52: {  	_ =	swait.ge [sflag:s9], $0x50  }
0x53: {  	[sflag:s9] =	ssyncset.done $0x0  }
0x54: {  	[sflag:s9] =	ssyncadd.s32 $0xFFFFFFB0  }
0x55: {  	[spmem:s2] =	stream.indirect.scatter.add.f32 [tilespmem:s11], [sflag:$0x1], $0x1, s3, s10, $0xb8;
	[tilespmem:$0x600] =	vst v63  }
0x56: {  	_ =	swait.ge [sflag:s9], $0x50  }
0x57: {  	s16 =	sadd.s32 $0x1, s16;
	[sflag:s9] =	ssyncset.done $0x0  }
0x58: {  	p0 =	sne.s32 s16, s6;
	[sflag:s9] =	ssyncadd.s32 $0xFFFFFFB0  }
.Ltmp1:
0x59: {  	[bflag:$0x0] =	sbarrier.arrive $0xFFFF;
	(pc) =	sbr.rel @p0 .LBB2_1-.Ltmp1, $4  }
0x5a: {  	[hbm:s5@s14], [sflag:s12] =	dma.strided [spmem:s13@s15], $0x50, s9, $0x10   }
0x5b: {  	_ =	swait.ge [sflag:s9], $0x50  }
0x5c: {  	[sflag:s9] =	ssyncset.done $0x0  }
0x5d: {  	[sflag:s9] =	ssyncadd.s32 $0xFFFFFFB0  }
0x5e: {  	_ =	sfence.sel $0x180000  }
0x5f: {  	[bflag:$0x0] =	sbarrier.arrive $0xFFFF  }
0x60: {  	p0 =	sne.s32 s1, $0x0;
	_ =	strace $0x90000047  }
0x61: {  	s0 =	sadd.s32 @!p0 $0x100000, s0;
	[bflag:$0x2] =	sbarrier.arrive $0xFFFF  }
0x62: {  	[sflag:s0] =	ssyncadd.tile.s32 @!p0 $0x1;
	_ =	shalt  }
.Lfunc_end2:
_tile_overlayer_lowered:
.L_overlay_start_2:
0x63: {  	(tag) =	ssettag $0x2  }
0x64: {  	s0 =	rddreg [dreg:$0x0];
	s2 =	stileid.u32  }
0x65: {  	s1 =	rddreg [dreg:$0x1];
	p0 =	sne.s32 s2, $0x0  }
0x66: {  	s3 =	rddreg [dreg:$0x2];
	[bflag:$0x3] =	sbarrier.arrive $0xFFFF;
	s2 =	simm.s32 @!p0 $0x1C01  }
0x67: {  	[timem:s3], [sflag:s2] =	dma.local @!p0 [hbm:s0], s1  }
0x68: {  	s0 =	simm.s32 @!p0 $0x1  }
0x69: {  	_ =	swait.ge @!p0 [sflag:s0], s1  }
0x6a: {  	s1 =	ssub.s32 @!p0 $0x0, s1;
	[sflag:s0] =	ssyncset.done @!p0 $0x0  }
0x6b: {  	[sflag:s0] =	ssyncadd.s32 @!p0 s1  }
0x6c: {  	[bflag:$0x3] =	sbarrier.arrive $0xFFFF  }
0x6d: {  	_ =	shalt  }

</sc_bundles>
